<compile_context>
chip_gen: v7x
topology: tpu7x:2x2x1
jax: 0.10.2.dev20260603
libtpu: 0.0.44.dev20260713+nightly
codegen_flags: <defaults>
</compile_context>

<pallas_src>
import functools

import jax
import jax.numpy as jnp
from jax import lax
from jax.experimental import pallas as pl
from jax.experimental.pallas import tpu as pltpu
from jax.experimental.pallas import tpu_sc as plsc

B = 16384
D = 64
NC = 2
NS = 16
NW = NC * NS
BPW = B // NW
CHUNK = 128
NCHUNK = BPW // CHUNK
NV = 1000000


DP = 2 * D
NPAIR = NV // 2
NBUF = 4

TW = 16128
TH = TW // 2
TQ = TW // 4
VCUT = NV - NV % 128
NTB = VCUT // TW
NPOUT = NTB * TQ
NTAIL = NV - VCUT


def _tp_eye():
    r = lax.broadcasted_iota(jnp.int32, (D, D), 0)
    c = lax.broadcasted_iota(jnp.int32, (D, D), 1)
    return (r == c).astype(jnp.float32)


def _tp_body(u_ref, i_ref, ou_ref, oi_ref):
    eye = _tp_eye()

    def transpose_pack(a):
        halves = []
        for q in range(2):
            t = lax.dot_general(a[:, q * TH:(q + 1) * TH], eye,
                                (((0,), (0,)), ((), ())),
                                preferred_element_type=jnp.float32)
            halves.append(pltpu.bitcast(t.astype(jnp.bfloat16), jnp.float32))
        return jnp.concatenate(halves, axis=1)

    ou_ref[...] = transpose_pack(u_ref[...])
    oi_ref[...] = transpose_pack(i_ref[...])


_tp = pl.pallas_call(
    _tp_body,
    grid=(NTB,),
    in_specs=[
        pl.BlockSpec((D, TW), lambda i: (0, i)),
        pl.BlockSpec((D, TW), lambda i: (0, i)),
    ],
    out_specs=[
        pl.BlockSpec((TQ, DP), lambda i: (i, 0)),
        pl.BlockSpec((TQ, DP), lambda i: (i, 0)),
    ],
    out_shape=[
        jax.ShapeDtypeStruct((NPOUT, DP), jnp.float32),
        jax.ShapeDtypeStruct((NPOUT, DP), jnp.float32),
    ],
    compiler_params=pltpu.CompilerParams(vmem_limit_bytes=60 * 1024 * 1024),
)


def _sc_gather2_body(uidx_hbm, iidx_hbm, utab_hbm, itab_hbm, uout_hbm, iout_hbm,
                     uidx_v, iidx_v, *rest):
    bufs = rest[:NBUF]
    sem_g = rest[NBUF:2 * NBUF]
    sem_o = rest[2 * NBUF:3 * NBUF]
    wid = lax.axis_index("s") * NC + lax.axis_index("c")
    base = wid * BPW
    pltpu.sync_copy(uidx_hbm.at[wid], uidx_v)
    pltpu.sync_copy(iidx_hbm.at[wid], iidx_v)

    jobs = [(uidx_v, utab_hbm, uout_hbm, c) for c in range(NCHUNK)]
    jobs += [(iidx_v, itab_hbm, iout_hbm, c) for c in range(NCHUNK)]
    njobs = len(jobs)

    def issue(j):
        idx_v, tab, _, c = jobs[j]
        return pltpu.async_copy(tab.at[idx_v.at[c]], bufs[j % NBUF], sem_g[j % NBUF])

    gh = [issue(j) for j in range(NBUF)]
    oh = [None] * njobs
    for j in range(njobs):
        gh[j].wait()
        _, _, out, c = jobs[j]
        oh[j] = pltpu.async_copy(
            bufs[j % NBUF], out.at[pl.ds(base + c * CHUNK, CHUNK)], sem_o[j % NBUF])
        if j + NBUF < njobs:
            oh[j].wait()
            gh.append(issue(j + NBUF))
    for j in range(njobs - NBUF, njobs):
        oh[j].wait()


@functools.cache
def _sc_gather2():
    mesh = plsc.VectorSubcoreMesh(
        core_axis_name="c", subcore_axis_name="s", num_cores=NC, num_subcores=NS
    )
    scratch = [
        pltpu.VMEM((NCHUNK, CHUNK), jnp.int32),
        pltpu.VMEM((NCHUNK, CHUNK), jnp.int32),
    ]
    scratch += [pltpu.VMEM((CHUNK, DP), jnp.float32) for _ in range(NBUF)]
    scratch += [pltpu.SemaphoreType.DMA for _ in range(2 * NBUF)]
    return pl.kernel(
        _sc_gather2_body,
        out_type=[
            jax.ShapeDtypeStruct((B, DP), jnp.float32),
            jax.ShapeDtypeStruct((B, DP), jnp.float32),
        ],
        mesh=mesh,
        scratch_types=scratch,
    )


BT = 2048


def _mlp_body(xu_ref, xi_ref, pu_ref, pi_ref, ohu_ref, ohi_ref,
              tailu_ref, taili_ref, w1u_ref, w1i_ref, b1_ref,
              w2_ref, b2_ref, w3_ref, b3_ref, out_ref):
    xu = xu_ref[...]
    xi = xi_ref[...]
    def select_quarter(x, p):
        v = jnp.where(p >= 2, x[:, D:], x[:, :D])
        vi = lax.bitcast_convert_type(v, jnp.int32)
        lo = lax.bitcast_convert_type(lax.shift_left(vi, 16), jnp.float32)
        hi = lax.bitcast_convert_type(
            lax.bitwise_and(vi, jnp.int32(-65536)), jnp.float32)
        return jnp.where(p % 2 == 0, lo, hi)

    u = select_quarter(xu, pu_ref[...])
    i = select_quarter(xi, pi_ref[...])
    u = jnp.where(pu_ref[...] < 0,
                  jnp.dot(ohu_ref[...], tailu_ref[...],
                          preferred_element_type=jnp.float32), u)
    i = jnp.where(pi_ref[...] < 0,
                  jnp.dot(ohi_ref[...], taili_ref[...],
                          preferred_element_type=jnp.float32), i)
    h = jnp.dot(u, w1u_ref[...], preferred_element_type=jnp.float32)
    h += jnp.dot(i, w1i_ref[...], preferred_element_type=jnp.float32)
    h = jnp.maximum(h + b1_ref[...], 0.0)
    h2 = jnp.dot(h, w2_ref[...], preferred_element_type=jnp.float32)
    h2 = jnp.maximum(h2 + b2_ref[...], 0.0)
    z = jnp.sum(h2 * w3_ref[...], axis=-1) + b3_ref[0, 0]
    out_ref[...] = 1.0 / (1.0 + jnp.exp(-z))


_mlp = pl.pallas_call(
    _mlp_body,
    grid=(B // BT,),
    in_specs=[
        pl.BlockSpec((BT, DP), lambda i: (i, 0)),
        pl.BlockSpec((BT, DP), lambda i: (i, 0)),
        pl.BlockSpec((BT, 1), lambda i: (i, 0)),
        pl.BlockSpec((BT, 1), lambda i: (i, 0)),
        pl.BlockSpec((BT, D), lambda i: (i, 0)),
        pl.BlockSpec((BT, D), lambda i: (i, 0)),
        pl.BlockSpec((NTAIL, D), lambda i: (0, 0)),
        pl.BlockSpec((NTAIL, D), lambda i: (0, 0)),
        pl.BlockSpec((D, 32), lambda i: (0, 0)),
        pl.BlockSpec((D, 32), lambda i: (0, 0)),
        pl.BlockSpec((1, 32), lambda i: (0, 0)),
        pl.BlockSpec((32, 16), lambda i: (0, 0)),
        pl.BlockSpec((1, 16), lambda i: (0, 0)),
        pl.BlockSpec((1, 16), lambda i: (0, 0)),
        pl.BlockSpec((1, 1), lambda i: (0, 0)),
    ],
    out_specs=pl.BlockSpec((BT,), lambda i: (i,)),
    out_shape=jax.ShapeDtypeStruct((B,), jnp.float32),
)


def kernel(user_indices, item_indices, emb_user, emb_item, W1, b1, W2, b2, W3, b3):
    ui = user_indices.astype(jnp.int32)
    ii = item_indices.astype(jnp.int32)

    def pair_par(idx):
        blk = idx // TW
        w = idx % TW
        half = w // TH
        pr = (w % TH) // 2
        slot = w % 2
        par = half * 2 + slot
        pair = blk * TQ + pr
        pair = jnp.where(idx >= VCUT, 0, pair)
        par = jnp.where(idx >= VCUT, -1, par)
        return pair, par

    upair, pu = pair_par(ui)
    ipair, pi = pair_par(ii)
    upair = upair.reshape(NW, NCHUNK, CHUNK)
    ipair = ipair.reshape(NW, NCHUNK, CHUNK)
    pu = pu.reshape(B, 1)
    pi = pi.reshape(B, 1)
    ut2, it2 = _tp(emb_user.T, emb_item.T)
    xu, xi = _sc_gather2()(upair, ipair, ut2, it2)
    ohu = jax.nn.one_hot(ui - VCUT, NTAIL, dtype=jnp.float32)
    ohi = jax.nn.one_hot(ii - VCUT, NTAIL, dtype=jnp.float32)
    w1u = W1[:, :D].T
    w1i = W1[:, D:].T
    return _mlp(xu, xi, pu, pi, ohu, ohi, emb_user[VCUT:], emb_item[VCUT:],
                w1u, w1i, b1.reshape(1, -1), W2.T,
                b2.reshape(1, -1), W3, b3.reshape(1, 1))

# --- scband reference (transcript-rebuilt; emitter-appended) ---
"""Pipeline reference for scband-ncf-59519656788305 (READ-ONLY COPY).

The authoritative reference and input builder live on the scoring server;
editing this copy changes nothing except your own understanding.
"""

import jax, jax.numpy as jnp
import numpy as np

NUM_USERS = 1000000
NUM_ITEMS = 1000000
EMBED_DIM = 64
BATCH = 16384

def setup_inputs(seed: int = 0) -> dict:
    key = jax.random.key(seed)
    ks = jax.random.split(key, 12)
    user_indices = jax.random.randint(ks[0], (BATCH,), 0, NUM_USERS, dtype=jnp.int64 if jax.config.jax_enable_x64 else jnp.int32)
    item_indices = jax.random.randint(ks[1], (BATCH,), 0, NUM_ITEMS, dtype=jnp.int64 if jax.config.jax_enable_x64 else jnp.int32)
    emb_user = jax.random.normal(ks[2], (NUM_USERS, EMBED_DIM), dtype=jnp.float32) * 0.02
    emb_item = jax.random.normal(ks[3], (NUM_ITEMS, EMBED_DIM), dtype=jnp.float32) * 0.02
    h1 = EMBED_DIM // 2
    h2 = EMBED_DIM // 4
    W1 = jax.random.normal(ks[4], (h1, EMBED_DIM * 2), dtype=jnp.float32) * (1.0 / np.sqrt(EMBED_DIM * 2))
    b1 = jnp.zeros((h1,), dtype=jnp.float32)
    W2 = jax.random.normal(ks[5], (h2, h1), dtype=jnp.float32) * (1.0 / np.sqrt(h1))
    b2 = jnp.zeros((h2,), dtype=jnp.float32)
    W3 = jax.random.normal(ks[6], (1, h2), dtype=jnp.float32) * (1.0 / np.sqrt(h2))
    b3 = jnp.zeros((1,), dtype=jnp.float32)
    return {
        'user_indices': user_indices,
        'item_indices': item_indices,
        'emb_user': emb_user,
        'emb_item': emb_item,
        'W1': W1, 'b1': b1,
        'W2': W2, 'b2': b2,
        'W3': W3, 'b3': b3,
    }

def reference(user_indices, item_indices, emb_user, emb_item, W1, b1, W2, b2, W3, b3):
    user_embedding = jnp.take(emb_user, user_indices, axis=0)
    item_embedding = jnp.take(emb_item, item_indices, axis=0)
    vector = jnp.concatenate([user_embedding, item_embedding], axis=-1)
    x = vector @ W1.T + b1
    x = jax.nn.relu(x)
    x = x @ W2.T + b2
    x = jax.nn.relu(x)
    x = x @ W3.T + b3
    output = jax.nn.sigmoid(x)
    return jnp.squeeze(output, axis=-1)

if __name__ == "__main__":
    import jax
    _d = setup_inputs()
    print(jax.jit(kernel)(*tuple(_d.values())))

</pallas_src>

<mosaic_0001>
#map = affine_map<(d0, d1) -> (0, 0, 0)>
#map1 = affine_map<(d0, d1) -> (0, 0)>
module attributes {stable_mosaic.version = 14 : i64} {
  func.func @_sc_gather2_body(%arg0: i32, %arg1: i32, %arg2: memref<32x4x128xi32, #tpu.memory_space<hbm>>, %arg3: memref<32x4x128xi32, #tpu.memory_space<hbm>>, %arg4: memref<249984x128xf32, #tpu.memory_space<hbm>>, %arg5: memref<249984x128xf32, #tpu.memory_space<hbm>>, %arg6: memref<16384x128xf32, #tpu.memory_space<hbm>>, %arg7: memref<16384x128xf32, #tpu.memory_space<hbm>>, %arg8: memref<4x128xi32, #tpu.memory_space<vmem>>, %arg9: memref<4x128xi32, #tpu.memory_space<vmem>>, %arg10: memref<128x128xf32, #tpu.memory_space<vmem>>, %arg11: memref<128x128xf32, #tpu.memory_space<vmem>>, %arg12: memref<128x128xf32, #tpu.memory_space<vmem>>, %arg13: memref<128x128xf32, #tpu.memory_space<vmem>>, %arg14: memref<!tpu.dma_semaphore, #tpu.memory_space<semaphore_mem>>, %arg15: memref<!tpu.dma_semaphore, #tpu.memory_space<semaphore_mem>>, %arg16: memref<!tpu.dma_semaphore, #tpu.memory_space<semaphore_mem>>, %arg17: memref<!tpu.dma_semaphore, #tpu.memory_space<semaphore_mem>>, %arg18: memref<!tpu.dma_semaphore, #tpu.memory_space<semaphore_mem>>, %arg19: memref<!tpu.dma_semaphore, #tpu.memory_space<semaphore_mem>>, %arg20: memref<!tpu.dma_semaphore, #tpu.memory_space<semaphore_mem>>, %arg21: memref<!tpu.dma_semaphore, #tpu.memory_space<semaphore_mem>>) attributes {dimension_semantics = [#tpu.dimension_semantics<core_parallel>, #tpu.dimension_semantics<subcore_parallel>], iteration_bounds = array<i64: 2, 16>, scalar_prefetch = 0 : i64, scratch_operands = 14 : i64, tpu.core_type = #tpu.core_type<sc_vector_subcore>, window_params = [{transform_indices = #map}, {transform_indices = #map}, {transform_indices = #map1}, {transform_indices = #map1}, {transform_indices = #map1}, {transform_indices = #map1}]} {
    %mul3A = arith.constant 2 : i32
    %mul3A_0 = arith.muli %arg1, %mul3A : i32
    %add3A = arith.addi %mul3A_0, %arg0 : i32
    %mul3A_1 = arith.constant 512 : i32
    %mul3A_2 = arith.muli %add3A, %mul3A_1 : i32
    "tpu.region"() ({
      %run_scoped3A = tpu.sem_alloc : memref<!tpu.dma_semaphore, #tpu.memory_space<semaphore_mem>>
      %dma_start3A_193 = arith.constant 0 : i32
      %dma_start3A_194 = arith.constant 0 : i32
      %dma_start3A_195 = tpu.memref_slice %arg2[%add3A, %dma_start3A_193, %dma_start3A_194] : memref<32x4x128xi32, #tpu.memory_space<hbm>> -> memref<1x4x128xi32, #tpu.memory_space<hbm>>
      %dma_start3A_196 = tpu.memref_squeeze %dma_start3A_195 : memref<1x4x128xi32, #tpu.memory_space<hbm>> -> memref<4x128xi32, #tpu.memory_space<hbm>>
      %dma_start3A_197 = arith.constant 0 : i32
      %dma_start3A_198 = arith.constant 0 : i32
      %dma_start3A_199 = tpu.memref_slice %arg2[%add3A, %dma_start3A_197, %dma_start3A_198] : memref<32x4x128xi32, #tpu.memory_space<hbm>> -> memref<1x4x128xi32, #tpu.memory_space<hbm>>
      %dma_start3A_200 = tpu.memref_squeeze %dma_start3A_199 : memref<1x4x128xi32, #tpu.memory_space<hbm>> -> memref<4x128xi32, #tpu.memory_space<hbm>>
      tpu.enqueue_dma source(%dma_start3A_200 : memref<4x128xi32, #tpu.memory_space<hbm>>) target(%arg8 : memref<4x128xi32, #tpu.memory_space<vmem>>) target_semaphore(%run_scoped3A : memref<!tpu.dma_semaphore, #tpu.memory_space<semaphore_mem>>)
      %dma_wait3A_201 = arith.constant 0 : i32
      %dma_wait3A_202 = arith.constant 0 : i32
      %dma_wait3A_203 = tpu.memref_slice %arg2[%add3A, %dma_wait3A_201, %dma_wait3A_202] : memref<32x4x128xi32, #tpu.memory_space<hbm>> -> memref<1x4x128xi32, #tpu.memory_space<hbm>>
      %dma_wait3A_204 = tpu.memref_squeeze %dma_wait3A_203 : memref<1x4x128xi32, #tpu.memory_space<hbm>> -> memref<4x128xi32, #tpu.memory_space<hbm>>
      %dma_wait3A_205 = arith.constant 0 : i32
      %dma_wait3A_206 = arith.constant 0 : i32
      %dma_wait3A_207 = tpu.memref_slice %arg2[%add3A, %dma_wait3A_205, %dma_wait3A_206] : memref<32x4x128xi32, #tpu.memory_space<hbm>> -> memref<1x4x128xi32, #tpu.memory_space<hbm>>
      %dma_wait3A_208 = tpu.memref_squeeze %dma_wait3A_207 : memref<1x4x128xi32, #tpu.memory_space<hbm>> -> memref<4x128xi32, #tpu.memory_space<hbm>>
      tpu.wait_dma2 semaphore(%run_scoped3A : memref<!tpu.dma_semaphore, #tpu.memory_space<semaphore_mem>>) src(%dma_wait3A_208 : memref<4x128xi32, #tpu.memory_space<hbm>>) dst(%arg8 : memref<4x128xi32, #tpu.memory_space<vmem>>)
      tpu.yield
    }) : () -> ()
    "tpu.region"() ({
      %run_scoped3A = tpu.sem_alloc : memref<!tpu.dma_semaphore, #tpu.memory_space<semaphore_mem>>
      %dma_start3A_193 = arith.constant 0 : i32
      %dma_start3A_194 = arith.constant 0 : i32
      %dma_start3A_195 = tpu.memref_slice %arg3[%add3A, %dma_start3A_193, %dma_start3A_194] : memref<32x4x128xi32, #tpu.memory_space<hbm>> -> memref<1x4x128xi32, #tpu.memory_space<hbm>>
      %dma_start3A_196 = tpu.memref_squeeze %dma_start3A_195 : memref<1x4x128xi32, #tpu.memory_space<hbm>> -> memref<4x128xi32, #tpu.memory_space<hbm>>
      %dma_start3A_197 = arith.constant 0 : i32
      %dma_start3A_198 = arith.constant 0 : i32
      %dma_start3A_199 = tpu.memref_slice %arg3[%add3A, %dma_start3A_197, %dma_start3A_198] : memref<32x4x128xi32, #tpu.memory_space<hbm>> -> memref<1x4x128xi32, #tpu.memory_space<hbm>>
      %dma_start3A_200 = tpu.memref_squeeze %dma_start3A_199 : memref<1x4x128xi32, #tpu.memory_space<hbm>> -> memref<4x128xi32, #tpu.memory_space<hbm>>
      tpu.enqueue_dma source(%dma_start3A_200 : memref<4x128xi32, #tpu.memory_space<hbm>>) target(%arg9 : memref<4x128xi32, #tpu.memory_space<vmem>>) target_semaphore(%run_scoped3A : memref<!tpu.dma_semaphore, #tpu.memory_space<semaphore_mem>>)
      %dma_wait3A_201 = arith.constant 0 : i32
      %dma_wait3A_202 = arith.constant 0 : i32
      %dma_wait3A_203 = tpu.memref_slice %arg3[%add3A, %dma_wait3A_201, %dma_wait3A_202] : memref<32x4x128xi32, #tpu.memory_space<hbm>> -> memref<1x4x128xi32, #tpu.memory_space<hbm>>
      %dma_wait3A_204 = tpu.memref_squeeze %dma_wait3A_203 : memref<1x4x128xi32, #tpu.memory_space<hbm>> -> memref<4x128xi32, #tpu.memory_space<hbm>>
      %dma_wait3A_205 = arith.constant 0 : i32
      %dma_wait3A_206 = arith.constant 0 : i32
      %dma_wait3A_207 = tpu.memref_slice %arg3[%add3A, %dma_wait3A_205, %dma_wait3A_206] : memref<32x4x128xi32, #tpu.memory_space<hbm>> -> memref<1x4x128xi32, #tpu.memory_space<hbm>>
      %dma_wait3A_208 = tpu.memref_squeeze %dma_wait3A_207 : memref<1x4x128xi32, #tpu.memory_space<hbm>> -> memref<4x128xi32, #tpu.memory_space<hbm>>
      tpu.wait_dma2 semaphore(%run_scoped3A : memref<!tpu.dma_semaphore, #tpu.memory_space<semaphore_mem>>) src(%dma_wait3A_208 : memref<4x128xi32, #tpu.memory_space<hbm>>) dst(%arg9 : memref<4x128xi32, #tpu.memory_space<vmem>>)
      tpu.yield
    }) : () -> ()
    %dma_start3A = arith.constant 0 : i32
    %dma_start3A_3 = arith.constant 0 : i32
    %dma_start3A_4 = tpu.memref_slice %arg8[%dma_start3A, %dma_start3A_3] : memref<4x128xi32, #tpu.memory_space<vmem>> -> memref<1x128xi32, #tpu.memory_space<vmem>>
    %dma_start3A_5 = tpu.memref_squeeze %dma_start3A_4 : memref<1x128xi32, #tpu.memory_space<vmem>> -> memref<128xi32, #tpu.memory_space<vmem>>
    %dma_start3A_6 = arith.constant 0 : i32
    %dma_start3A_7 = arith.constant 0 : i32
    %dma_start3A_8 = tpu.memref_slice %arg4[%dma_start3A_6, %dma_start3A_7] : memref<249984x128xf32, #tpu.memory_space<hbm>> -> memref<249984x128xf32, #tpu.memory_space<hbm>>
    tpu.enqueue_indirect_dma source(%dma_start3A_8 : memref<249984x128xf32, #tpu.memory_space<hbm>>) target(%arg10 : memref<128x128xf32, #tpu.memory_space<vmem>>) offsets(%dma_start3A_5 : memref<128xi32, #tpu.memory_space<vmem>>) semaphore(%arg14 : memref<!tpu.dma_semaphore, #tpu.memory_space<semaphore_mem>>)
    %dma_start3A_9 = arith.constant 1 : i32
    %dma_start3A_10 = arith.constant 0 : i32
    %dma_start3A_11 = tpu.memref_slice %arg8[%dma_start3A_9, %dma_start3A_10] : memref<4x128xi32, #tpu.memory_space<vmem>> -> memref<1x128xi32, #tpu.memory_space<vmem>>
    %dma_start3A_12 = tpu.memref_squeeze %dma_start3A_11 : memref<1x128xi32, #tpu.memory_space<vmem>> -> memref<128xi32, #tpu.memory_space<vmem>>
    %dma_start3A_13 = arith.constant 0 : i32
    %dma_start3A_14 = arith.constant 0 : i32
    %dma_start3A_15 = tpu.memref_slice %arg4[%dma_start3A_13, %dma_start3A_14] : memref<249984x128xf32, #tpu.memory_space<hbm>> -> memref<249984x128xf32, #tpu.memory_space<hbm>>
    tpu.enqueue_indirect_dma source(%dma_start3A_15 : memref<249984x128xf32, #tpu.memory_space<hbm>>) target(%arg11 : memref<128x128xf32, #tpu.memory_space<vmem>>) offsets(%dma_start3A_12 : memref<128xi32, #tpu.memory_space<vmem>>) semaphore(%arg15 : memref<!tpu.dma_semaphore, #tpu.memory_space<semaphore_mem>>)
    %dma_start3A_16 = arith.constant 2 : i32
    %dma_start3A_17 = arith.constant 0 : i32
    %dma_start3A_18 = tpu.memref_slice %arg8[%dma_start3A_16, %dma_start3A_17] : memref<4x128xi32, #tpu.memory_space<vmem>> -> memref<1x128xi32, #tpu.memory_space<vmem>>
    %dma_start3A_19 = tpu.memref_squeeze %dma_start3A_18 : memref<1x128xi32, #tpu.memory_space<vmem>> -> memref<128xi32, #tpu.memory_space<vmem>>
    %dma_start3A_20 = arith.constant 0 : i32
    %dma_start3A_21 = arith.constant 0 : i32
    %dma_start3A_22 = tpu.memref_slice %arg4[%dma_start3A_20, %dma_start3A_21] : memref<249984x128xf32, #tpu.memory_space<hbm>> -> memref<249984x128xf32, #tpu.memory_space<hbm>>
    tpu.enqueue_indirect_dma source(%dma_start3A_22 : memref<249984x128xf32, #tpu.memory_space<hbm>>) target(%arg12 : memref<128x128xf32, #tpu.memory_space<vmem>>) offsets(%dma_start3A_19 : memref<128xi32, #tpu.memory_space<vmem>>) semaphore(%arg16 : memref<!tpu.dma_semaphore, #tpu.memory_space<semaphore_mem>>)
    %dma_start3A_23 = arith.constant 3 : i32
    %dma_start3A_24 = arith.constant 0 : i32
    %dma_start3A_25 = tpu.memref_slice %arg8[%dma_start3A_23, %dma_start3A_24] : memref<4x128xi32, #tpu.memory_space<vmem>> -> memref<1x128xi32, #tpu.memory_space<vmem>>
    %dma_start3A_26 = tpu.memref_squeeze %dma_start3A_25 : memref<1x128xi32, #tpu.memory_space<vmem>> -> memref<128xi32, #tpu.memory_space<vmem>>
    %dma_start3A_27 = arith.constant 0 : i32
    %dma_start3A_28 = arith.constant 0 : i32
    %dma_start3A_29 = tpu.memref_slice %arg4[%dma_start3A_27, %dma_start3A_28] : memref<249984x128xf32, #tpu.memory_space<hbm>> -> memref<249984x128xf32, #tpu.memory_space<hbm>>
    tpu.enqueue_indirect_dma source(%dma_start3A_29 : memref<249984x128xf32, #tpu.memory_space<hbm>>) target(%arg13 : memref<128x128xf32, #tpu.memory_space<vmem>>) offsets(%dma_start3A_26 : memref<128xi32, #tpu.memory_space<vmem>>) semaphore(%arg17 : memref<!tpu.dma_semaphore, #tpu.memory_space<semaphore_mem>>)
    %dma_wait3A = arith.constant 0 : i32
    %dma_wait3A_30 = arith.constant 0 : i32
    %dma_wait3A_31 = tpu.memref_slice %arg8[%dma_wait3A, %dma_wait3A_30] : memref<4x128xi32, #tpu.memory_space<vmem>> -> memref<1x128xi32, #tpu.memory_space<vmem>>
    %dma_wait3A_32 = tpu.memref_squeeze %dma_wait3A_31 : memref<1x128xi32, #tpu.memory_space<vmem>> -> memref<128xi32, #tpu.memory_space<vmem>>
    %dma_wait3A_33 = arith.constant 0 : i32
    %dma_wait3A_34 = arith.constant 0 : i32
    %dma_wait3A_35 = tpu.memref_slice %arg4[%dma_wait3A_33, %dma_wait3A_34] : memref<249984x128xf32, #tpu.memory_space<hbm>> -> memref<249984x128xf32, #tpu.memory_space<hbm>>
    tpu.wait_indirect_dma semaphore(%arg14 : memref<!tpu.dma_semaphore, #tpu.memory_space<semaphore_mem>>) src(%dma_wait3A_35 : memref<249984x128xf32, #tpu.memory_space<hbm>>) dst(%arg10 : memref<128x128xf32, #tpu.memory_space<vmem>>)
    %add3A_36 = arith.constant 0 : i32
    %add3A_37 = arith.addi %mul3A_2, %add3A_36 : i32
    %dma_start3A_38 = arith.constant 0 : i32
    %dma_start3A_39 = tpu.memref_slice %arg6[%add3A_37, %dma_start3A_38] : memref<16384x128xf32, #tpu.memory_space<hbm>> -> memref<128x128xf32, #tpu.memory_space<hbm>>
    %dma_start3A_40 = arith.constant 0 : i32
    %dma_start3A_41 = tpu.memref_slice %arg6[%add3A_37, %dma_start3A_40] : memref<16384x128xf32, #tpu.memory_space<hbm>> -> memref<128x128xf32, #tpu.memory_space<hbm>>
    tpu.enqueue_dma source(%arg10 : memref<128x128xf32, #tpu.memory_space<vmem>>) target(%dma_start3A_41 : memref<128x128xf32, #tpu.memory_space<hbm>>) target_semaphore(%arg18 : memref<!tpu.dma_semaphore, #tpu.memory_space<semaphore_mem>>)
    %dma_wait3A_42 = arith.constant 0 : i32
    %dma_wait3A_43 = tpu.memref_slice %arg6[%add3A_37, %dma_wait3A_42] : memref<16384x128xf32, #tpu.memory_space<hbm>> -> memref<128x128xf32, #tpu.memory_space<hbm>>
    %dma_wait3A_44 = arith.constant 0 : i32
    %dma_wait3A_45 = tpu.memref_slice %arg6[%add3A_37, %dma_wait3A_44] : memref<16384x128xf32, #tpu.memory_space<hbm>> -> memref<128x128xf32, #tpu.memory_space<hbm>>
    tpu.wait_dma2 semaphore(%arg18 : memref<!tpu.dma_semaphore, #tpu.memory_space<semaphore_mem>>) src(%arg10 : memref<128x128xf32, #tpu.memory_space<vmem>>) dst(%dma_wait3A_45 : memref<128x128xf32, #tpu.memory_space<hbm>>)
    %dma_start3A_46 = arith.constant 0 : i32
    %dma_start3A_47 = arith.constant 0 : i32
    %dma_start3A_48 = tpu.memref_slice %arg9[%dma_start3A_46, %dma_start3A_47] : memref<4x128xi32, #tpu.memory_space<vmem>> -> memref<1x128xi32, #tpu.memory_space<vmem>>
    %dma_start3A_49 = tpu.memref_squeeze %dma_start3A_48 : memref<1x128xi32, #tpu.memory_space<vmem>> -> memref<128xi32, #tpu.memory_space<vmem>>
    %dma_start3A_50 = arith.constant 0 : i32
    %dma_start3A_51 = arith.constant 0 : i32
    %dma_start3A_52 = tpu.memref_slice %arg5[%dma_start3A_50, %dma_start3A_51] : memref<249984x128xf32, #tpu.memory_space<hbm>> -> memref<249984x128xf32, #tpu.memory_space<hbm>>
    tpu.enqueue_indirect_dma source(%dma_start3A_52 : memref<249984x128xf32, #tpu.memory_space<hbm>>) target(%arg10 : memref<128x128xf32, #tpu.memory_space<vmem>>) offsets(%dma_start3A_49 : memref<128xi32, #tpu.memory_space<vmem>>) semaphore(%arg14 : memref<!tpu.dma_semaphore, #tpu.memory_space<semaphore_mem>>)
    %dma_wait3A_53 = arith.constant 1 : i32
    %dma_wait3A_54 = arith.constant 0 : i32
    %dma_wait3A_55 = tpu.memref_slice %arg8[%dma_wait3A_53, %dma_wait3A_54] : memref<4x128xi32, #tpu.memory_space<vmem>> -> memref<1x128xi32, #tpu.memory_space<vmem>>
    %dma_wait3A_56 = tpu.memref_squeeze %dma_wait3A_55 : memref<1x128xi32, #tpu.memory_space<vmem>> -> memref<128xi32, #tpu.memory_space<vmem>>
    %dma_wait3A_57 = arith.constant 0 : i32
    %dma_wait3A_58 = arith.constant 0 : i32
    %dma_wait3A_59 = tpu.memref_slice %arg4[%dma_wait3A_57, %dma_wait3A_58] : memref<249984x128xf32, #tpu.memory_space<hbm>> -> memref<249984x128xf32, #tpu.memory_space<hbm>>
    tpu.wait_indirect_dma semaphore(%arg15 : memref<!tpu.dma_semaphore, #tpu.memory_space<semaphore_mem>>) src(%dma_wait3A_59 : memref<249984x128xf32, #tpu.memory_space<hbm>>) dst(%arg11 : memref<128x128xf32, #tpu.memory_space<vmem>>)
    %add3A_60 = arith.constant 128 : i32
    %add3A_61 = arith.addi %mul3A_2, %add3A_60 : i32
    %dma_start3A_62 = arith.constant 0 : i32
    %dma_start3A_63 = tpu.memref_slice %arg6[%add3A_61, %dma_start3A_62] : memref<16384x128xf32, #tpu.memory_space<hbm>> -> memref<128x128xf32, #tpu.memory_space<hbm>>
    %dma_start3A_64 = arith.constant 0 : i32
    %dma_start3A_65 = tpu.memref_slice %arg6[%add3A_61, %dma_start3A_64] : memref<16384x128xf32, #tpu.memory_space<hbm>> -> memref<128x128xf32, #tpu.memory_space<hbm>>
    tpu.enqueue_dma source(%arg11 : memref<128x128xf32, #tpu.memory_space<vmem>>) target(%dma_start3A_65 : memref<128x128xf32, #tpu.memory_space<hbm>>) target_semaphore(%arg19 : memref<!tpu.dma_semaphore, #tpu.memory_space<semaphore_mem>>)
    %dma_wait3A_66 = arith.constant 0 : i32
    %dma_wait3A_67 = tpu.memref_slice %arg6[%add3A_61, %dma_wait3A_66] : memref<16384x128xf32, #tpu.memory_space<hbm>> -> memref<128x128xf32, #tpu.memory_space<hbm>>
    %dma_wait3A_68 = arith.constant 0 : i32
    %dma_wait3A_69 = tpu.memref_slice %arg6[%add3A_61, %dma_wait3A_68] : memref<16384x128xf32, #tpu.memory_space<hbm>> -> memref<128x128xf32, #tpu.memory_space<hbm>>
    tpu.wait_dma2 semaphore(%arg19 : memref<!tpu.dma_semaphore, #tpu.memory_space<semaphore_mem>>) src(%arg11 : memref<128x128xf32, #tpu.memory_space<vmem>>) dst(%dma_wait3A_69 : memref<128x128xf32, #tpu.memory_space<hbm>>)
    %dma_start3A_70 = arith.constant 1 : i32
    %dma_start3A_71 = arith.constant 0 : i32
    %dma_start3A_72 = tpu.memref_slice %arg9[%dma_start3A_70, %dma_start3A_71] : memref<4x128xi32, #tpu.memory_space<vmem>> -> memref<1x128xi32, #tpu.memory_space<vmem>>
    %dma_start3A_73 = tpu.memref_squeeze %dma_start3A_72 : memref<1x128xi32, #tpu.memory_space<vmem>> -> memref<128xi32, #tpu.memory_space<vmem>>
    %dma_start3A_74 = arith.constant 0 : i32
    %dma_start3A_75 = arith.constant 0 : i32
    %dma_start3A_76 = tpu.memref_slice %arg5[%dma_start3A_74, %dma_start3A_75] : memref<249984x128xf32, #tpu.memory_space<hbm>> -> memref<249984x128xf32, #tpu.memory_space<hbm>>
    tpu.enqueue_indirect_dma source(%dma_start3A_76 : memref<249984x128xf32, #tpu.memory_space<hbm>>) target(%arg11 : memref<128x128xf32, #tpu.memory_space<vmem>>) offsets(%dma_start3A_73 : memref<128xi32, #tpu.memory_space<vmem>>) semaphore(%arg15 : memref<!tpu.dma_semaphore, #tpu.memory_space<semaphore_mem>>)
    %dma_wait3A_77 = arith.constant 2 : i32
    %dma_wait3A_78 = arith.constant 0 : i32
    %dma_wait3A_79 = tpu.memref_slice %arg8[%dma_wait3A_77, %dma_wait3A_78] : memref<4x128xi32, #tpu.memory_space<vmem>> -> memref<1x128xi32, #tpu.memory_space<vmem>>
    %dma_wait3A_80 = tpu.memref_squeeze %dma_wait3A_79 : memref<1x128xi32, #tpu.memory_space<vmem>> -> memref<128xi32, #tpu.memory_space<vmem>>
    %dma_wait3A_81 = arith.constant 0 : i32
    %dma_wait3A_82 = arith.constant 0 : i32
    %dma_wait3A_83 = tpu.memref_slice %arg4[%dma_wait3A_81, %dma_wait3A_82] : memref<249984x128xf32, #tpu.memory_space<hbm>> -> memref<249984x128xf32, #tpu.memory_space<hbm>>
    tpu.wait_indirect_dma semaphore(%arg16 : memref<!tpu.dma_semaphore, #tpu.memory_space<semaphore_mem>>) src(%dma_wait3A_83 : memref<249984x128xf32, #tpu.memory_space<hbm>>) dst(%arg12 : memref<128x128xf32, #tpu.memory_space<vmem>>)
    %add3A_84 = arith.constant 256 : i32
    %add3A_85 = arith.addi %mul3A_2, %add3A_84 : i32
    %dma_start3A_86 = arith.constant 0 : i32
    %dma_start3A_87 = tpu.memref_slice %arg6[%add3A_85, %dma_start3A_86] : memref<16384x128xf32, #tpu.memory_space<hbm>> -> memref<128x128xf32, #tpu.memory_space<hbm>>
    %dma_start3A_88 = arith.constant 0 : i32
    %dma_start3A_89 = tpu.memref_slice %arg6[%add3A_85, %dma_start3A_88] : memref<16384x128xf32, #tpu.memory_space<hbm>> -> memref<128x128xf32, #tpu.memory_space<hbm>>
    tpu.enqueue_dma source(%arg12 : memref<128x128xf32, #tpu.memory_space<vmem>>) target(%dma_start3A_89 : memref<128x128xf32, #tpu.memory_space<hbm>>) target_semaphore(%arg20 : memref<!tpu.dma_semaphore, #tpu.memory_space<semaphore_mem>>)
    %dma_wait3A_90 = arith.constant 0 : i32
    %dma_wait3A_91 = tpu.memref_slice %arg6[%add3A_85, %dma_wait3A_90] : memref<16384x128xf32, #tpu.memory_space<hbm>> -> memref<128x128xf32, #tpu.memory_space<hbm>>
    %dma_wait3A_92 = arith.constant 0 : i32
    %dma_wait3A_93 = tpu.memref_slice %arg6[%add3A_85, %dma_wait3A_92] : memref<16384x128xf32, #tpu.memory_space<hbm>> -> memref<128x128xf32, #tpu.memory_space<hbm>>
    tpu.wait_dma2 semaphore(%arg20 : memref<!tpu.dma_semaphore, #tpu.memory_space<semaphore_mem>>) src(%arg12 : memref<128x128xf32, #tpu.memory_space<vmem>>) dst(%dma_wait3A_93 : memref<128x128xf32, #tpu.memory_space<hbm>>)
    %dma_start3A_94 = arith.constant 2 : i32
    %dma_start3A_95 = arith.constant 0 : i32
    %dma_start3A_96 = tpu.memref_slice %arg9[%dma_start3A_94, %dma_start3A_95] : memref<4x128xi32, #tpu.memory_space<vmem>> -> memref<1x128xi32, #tpu.memory_space<vmem>>
    %dma_start3A_97 = tpu.memref_squeeze %dma_start3A_96 : memref<1x128xi32, #tpu.memory_space<vmem>> -> memref<128xi32, #tpu.memory_space<vmem>>
    %dma_start3A_98 = arith.constant 0 : i32
    %dma_start3A_99 = arith.constant 0 : i32
    %dma_start3A_100 = tpu.memref_slice %arg5[%dma_start3A_98, %dma_start3A_99] : memref<249984x128xf32, #tpu.memory_space<hbm>> -> memref<249984x128xf32, #tpu.memory_space<hbm>>
    tpu.enqueue_indirect_dma source(%dma_start3A_100 : memref<249984x128xf32, #tpu.memory_space<hbm>>) target(%arg12 : memref<128x128xf32, #tpu.memory_space<vmem>>) offsets(%dma_start3A_97 : memref<128xi32, #tpu.memory_space<vmem>>) semaphore(%arg16 : memref<!tpu.dma_semaphore, #tpu.memory_space<semaphore_mem>>)
    %dma_wait3A_101 = arith.constant 3 : i32
    %dma_wait3A_102 = arith.constant 0 : i32
    %dma_wait3A_103 = tpu.memref_slice %arg8[%dma_wait3A_101, %dma_wait3A_102] : memref<4x128xi32, #tpu.memory_space<vmem>> -> memref<1x128xi32, #tpu.memory_space<vmem>>
    %dma_wait3A_104 = tpu.memref_squeeze %dma_wait3A_103 : memref<1x128xi32, #tpu.memory_space<vmem>> -> memref<128xi32, #tpu.memory_space<vmem>>
    %dma_wait3A_105 = arith.constant 0 : i32
    %dma_wait3A_106 = arith.constant 0 : i32
    %dma_wait3A_107 = tpu.memref_slice %arg4[%dma_wait3A_105, %dma_wait3A_106] : memref<249984x128xf32, #tpu.memory_space<hbm>> -> memref<249984x128xf32, #tpu.memory_space<hbm>>
    tpu.wait_indirect_dma semaphore(%arg17 : memref<!tpu.dma_semaphore, #tpu.memory_space<semaphore_mem>>) src(%dma_wait3A_107 : memref<249984x128xf32, #tpu.memory_space<hbm>>) dst(%arg13 : memref<128x128xf32, #tpu.memory_space<vmem>>)
    %add3A_108 = arith.constant 384 : i32
    %add3A_109 = arith.addi %mul3A_2, %add3A_108 : i32
    %dma_start3A_110 = arith.constant 0 : i32
    %dma_start3A_111 = tpu.memref_slice %arg6[%add3A_109, %dma_start3A_110] : memref<16384x128xf32, #tpu.memory_space<hbm>> -> memref<128x128xf32, #tpu.memory_space<hbm>>
    %dma_start3A_112 = arith.constant 0 : i32
    %dma_start3A_113 = tpu.memref_slice %arg6[%add3A_109, %dma_start3A_112] : memref<16384x128xf32, #tpu.memory_space<hbm>> -> memref<128x128xf32, #tpu.memory_space<hbm>>
    tpu.enqueue_dma source(%arg13 : memref<128x128xf32, #tpu.memory_space<vmem>>) target(%dma_start3A_113 : memref<128x128xf32, #tpu.memory_space<hbm>>) target_semaphore(%arg21 : memref<!tpu.dma_semaphore, #tpu.memory_space<semaphore_mem>>)
    %dma_wait3A_114 = arith.constant 0 : i32
    %dma_wait3A_115 = tpu.memref_slice %arg6[%add3A_109, %dma_wait3A_114] : memref<16384x128xf32, #tpu.memory_space<hbm>> -> memref<128x128xf32, #tpu.memory_space<hbm>>
    %dma_wait3A_116 = arith.constant 0 : i32
    %dma_wait3A_117 = tpu.memref_slice %arg6[%add3A_109, %dma_wait3A_116] : memref<16384x128xf32, #tpu.memory_space<hbm>> -> memref<128x128xf32, #tpu.memory_space<hbm>>
    tpu.wait_dma2 semaphore(%arg21 : memref<!tpu.dma_semaphore, #tpu.memory_space<semaphore_mem>>) src(%arg13 : memref<128x128xf32, #tpu.memory_space<vmem>>) dst(%dma_wait3A_117 : memref<128x128xf32, #tpu.memory_space<hbm>>)
    %dma_start3A_118 = arith.constant 3 : i32
    %dma_start3A_119 = arith.constant 0 : i32
    %dma_start3A_120 = tpu.memref_slice %arg9[%dma_start3A_118, %dma_start3A_119] : memref<4x128xi32, #tpu.memory_space<vmem>> -> memref<1x128xi32, #tpu.memory_space<vmem>>
    %dma_start3A_121 = tpu.memref_squeeze %dma_start3A_120 : memref<1x128xi32, #tpu.memory_space<vmem>> -> memref<128xi32, #tpu.memory_space<vmem>>
    %dma_start3A_122 = arith.constant 0 : i32
    %dma_start3A_123 = arith.constant 0 : i32
    %dma_start3A_124 = tpu.memref_slice %arg5[%dma_start3A_122, %dma_start3A_123] : memref<249984x128xf32, #tpu.memory_space<hbm>> -> memref<249984x128xf32, #tpu.memory_space<hbm>>
    tpu.enqueue_indirect_dma source(%dma_start3A_124 : memref<249984x128xf32, #tpu.memory_space<hbm>>) target(%arg13 : memref<128x128xf32, #tpu.memory_space<vmem>>) offsets(%dma_start3A_121 : memref<128xi32, #tpu.memory_space<vmem>>) semaphore(%arg17 : memref<!tpu.dma_semaphore, #tpu.memory_space<semaphore_mem>>)
    %dma_wait3A_125 = arith.constant 0 : i32
    %dma_wait3A_126 = arith.constant 0 : i32
    %dma_wait3A_127 = tpu.memref_slice %arg9[%dma_wait3A_125, %dma_wait3A_126] : memref<4x128xi32, #tpu.memory_space<vmem>> -> memref<1x128xi32, #tpu.memory_space<vmem>>
    %dma_wait3A_128 = tpu.memref_squeeze %dma_wait3A_127 : memref<1x128xi32, #tpu.memory_space<vmem>> -> memref<128xi32, #tpu.memory_space<vmem>>
    %dma_wait3A_129 = arith.constant 0 : i32
    %dma_wait3A_130 = arith.constant 0 : i32
    %dma_wait3A_131 = tpu.memref_slice %arg5[%dma_wait3A_129, %dma_wait3A_130] : memref<249984x128xf32, #tpu.memory_space<hbm>> -> memref<249984x128xf32, #tpu.memory_space<hbm>>
    tpu.wait_indirect_dma semaphore(%arg14 : memref<!tpu.dma_semaphore, #tpu.memory_space<semaphore_mem>>) src(%dma_wait3A_131 : memref<249984x128xf32, #tpu.memory_space<hbm>>) dst(%arg10 : memref<128x128xf32, #tpu.memory_space<vmem>>)
    %add3A_132 = arith.constant 0 : i32
    %add3A_133 = arith.addi %mul3A_2, %add3A_132 : i32
    %dma_start3A_134 = arith.constant 0 : i32
    %dma_start3A_135 = tpu.memref_slice %arg7[%add3A_133, %dma_start3A_134] : memref<16384x128xf32, #tpu.memory_space<hbm>> -> memref<128x128xf32, #tpu.memory_space<hbm>>
    %dma_start3A_136 = arith.constant 0 : i32
    %dma_start3A_137 = tpu.memref_slice %arg7[%add3A_133, %dma_start3A_136] : memref<16384x128xf32, #tpu.memory_space<hbm>> -> memref<128x128xf32, #tpu.memory_space<hbm>>
    tpu.enqueue_dma source(%arg10 : memref<128x128xf32, #tpu.memory_space<vmem>>) target(%dma_start3A_137 : memref<128x128xf32, #tpu.memory_space<hbm>>) target_semaphore(%arg18 : memref<!tpu.dma_semaphore, #tpu.memory_space<semaphore_mem>>)
    %dma_wait3A_138 = arith.constant 1 : i32
    %dma_wait3A_139 = arith.constant 0 : i32
    %dma_wait3A_140 = tpu.memref_slice %arg9[%dma_wait3A_138, %dma_wait3A_139] : memref<4x128xi32, #tpu.memory_space<vmem>> -> memref<1x128xi32, #tpu.memory_space<vmem>>
    %dma_wait3A_141 = tpu.memref_squeeze %dma_wait3A_140 : memref<1x128xi32, #tpu.memory_space<vmem>> -> memref<128xi32, #tpu.memory_space<vmem>>
    %dma_wait3A_142 = arith.constant 0 : i32
    %dma_wait3A_143 = arith.constant 0 : i32
    %dma_wait3A_144 = tpu.memref_slice %arg5[%dma_wait3A_142, %dma_wait3A_143] : memref<249984x128xf32, #tpu.memory_space<hbm>> -> memref<249984x128xf32, #tpu.memory_space<hbm>>
    tpu.wait_indirect_dma semaphore(%arg15 : memref<!tpu.dma_semaphore, #tpu.memory_space<semaphore_mem>>) src(%dma_wait3A_144 : memref<249984x128xf32, #tpu.memory_space<hbm>>) dst(%arg11 : memref<128x128xf32, #tpu.memory_space<vmem>>)
    %add3A_145 = arith.constant 128 : i32
    %add3A_146 = arith.addi %mul3A_2, %add3A_145 : i32
    %dma_start3A_147 = arith.constant 0 : i32
    %dma_start3A_148 = tpu.memref_slice %arg7[%add3A_146, %dma_start3A_147] : memref<16384x128xf32, #tpu.memory_space<hbm>> -> memref<128x128xf32, #tpu.memory_space<hbm>>
    %dma_start3A_149 = arith.constant 0 : i32
    %dma_start3A_150 = tpu.memref_slice %arg7[%add3A_146, %dma_start3A_149] : memref<16384x128xf32, #tpu.memory_space<hbm>> -> memref<128x128xf32, #tpu.memory_space<hbm>>
    tpu.enqueue_dma source(%arg11 : memref<128x128xf32, #tpu.memory_space<vmem>>) target(%dma_start3A_150 : memref<128x128xf32, #tpu.memory_space<hbm>>) target_semaphore(%arg19 : memref<!tpu.dma_semaphore, #tpu.memory_space<semaphore_mem>>)
    %dma_wait3A_151 = arith.constant 2 : i32
    %dma_wait3A_152 = arith.constant 0 : i32
    %dma_wait3A_153 = tpu.memref_slice %arg9[%dma_wait3A_151, %dma_wait3A_152] : memref<4x128xi32, #tpu.memory_space<vmem>> -> memref<1x128xi32, #tpu.memory_space<vmem>>
    %dma_wait3A_154 = tpu.memref_squeeze %dma_wait3A_153 : memref<1x128xi32, #tpu.memory_space<vmem>> -> memref<128xi32, #tpu.memory_space<vmem>>
    %dma_wait3A_155 = arith.constant 0 : i32
    %dma_wait3A_156 = arith.constant 0 : i32
    %dma_wait3A_157 = tpu.memref_slice %arg5[%dma_wait3A_155, %dma_wait3A_156] : memref<249984x128xf32, #tpu.memory_space<hbm>> -> memref<249984x128xf32, #tpu.memory_space<hbm>>
    tpu.wait_indirect_dma semaphore(%arg16 : memref<!tpu.dma_semaphore, #tpu.memory_space<semaphore_mem>>) src(%dma_wait3A_157 : memref<249984x128xf32, #tpu.memory_space<hbm>>) dst(%arg12 : memref<128x128xf32, #tpu.memory_space<vmem>>)
    %add3A_158 = arith.constant 256 : i32
    %add3A_159 = arith.addi %mul3A_2, %add3A_158 : i32
    %dma_start3A_160 = arith.constant 0 : i32
    %dma_start3A_161 = tpu.memref_slice %arg7[%add3A_159, %dma_start3A_160] : memref<16384x128xf32, #tpu.memory_space<hbm>> -> memref<128x128xf32, #tpu.memory_space<hbm>>
    %dma_start3A_162 = arith.constant 0 : i32
    %dma_start3A_163 = tpu.memref_slice %arg7[%add3A_159, %dma_start3A_162] : memref<16384x128xf32, #tpu.memory_space<hbm>> -> memref<128x128xf32, #tpu.memory_space<hbm>>
    tpu.enqueue_dma source(%arg12 : memref<128x128xf32, #tpu.memory_space<vmem>>) target(%dma_start3A_163 : memref<128x128xf32, #tpu.memory_space<hbm>>) target_semaphore(%arg20 : memref<!tpu.dma_semaphore, #tpu.memory_space<semaphore_mem>>)
    %dma_wait3A_164 = arith.constant 3 : i32
    %dma_wait3A_165 = arith.constant 0 : i32
    %dma_wait3A_166 = tpu.memref_slice %arg9[%dma_wait3A_164, %dma_wait3A_165] : memref<4x128xi32, #tpu.memory_space<vmem>> -> memref<1x128xi32, #tpu.memory_space<vmem>>
    %dma_wait3A_167 = tpu.memref_squeeze %dma_wait3A_166 : memref<1x128xi32, #tpu.memory_space<vmem>> -> memref<128xi32, #tpu.memory_space<vmem>>
    %dma_wait3A_168 = arith.constant 0 : i32
    %dma_wait3A_169 = arith.constant 0 : i32
    %dma_wait3A_170 = tpu.memref_slice %arg5[%dma_wait3A_168, %dma_wait3A_169] : memref<249984x128xf32, #tpu.memory_space<hbm>> -> memref<249984x128xf32, #tpu.memory_space<hbm>>
    tpu.wait_indirect_dma semaphore(%arg17 : memref<!tpu.dma_semaphore, #tpu.memory_space<semaphore_mem>>) src(%dma_wait3A_170 : memref<249984x128xf32, #tpu.memory_space<hbm>>) dst(%arg13 : memref<128x128xf32, #tpu.memory_space<vmem>>)
    %add3A_171 = arith.constant 384 : i32
    %add3A_172 = arith.addi %mul3A_2, %add3A_171 : i32
    %dma_start3A_173 = arith.constant 0 : i32
    %dma_start3A_174 = tpu.memref_slice %arg7[%add3A_172, %dma_start3A_173] : memref<16384x128xf32, #tpu.memory_space<hbm>> -> memref<128x128xf32, #tpu.memory_space<hbm>>
    %dma_start3A_175 = arith.constant 0 : i32
    %dma_start3A_176 = tpu.memref_slice %arg7[%add3A_172, %dma_start3A_175] : memref<16384x128xf32, #tpu.memory_space<hbm>> -> memref<128x128xf32, #tpu.memory_space<hbm>>
    tpu.enqueue_dma source(%arg13 : memref<128x128xf32, #tpu.memory_space<vmem>>) target(%dma_start3A_176 : memref<128x128xf32, #tpu.memory_space<hbm>>) target_semaphore(%arg21 : memref<!tpu.dma_semaphore, #tpu.memory_space<semaphore_mem>>)
    %dma_wait3A_177 = arith.constant 0 : i32
    %dma_wait3A_178 = tpu.memref_slice %arg7[%add3A_133, %dma_wait3A_177] : memref<16384x128xf32, #tpu.memory_space<hbm>> -> memref<128x128xf32, #tpu.memory_space<hbm>>
    %dma_wait3A_179 = arith.constant 0 : i32
    %dma_wait3A_180 = tpu.memref_slice %arg7[%add3A_133, %dma_wait3A_179] : memref<16384x128xf32, #tpu.memory_space<hbm>> -> memref<128x128xf32, #tpu.memory_space<hbm>>
    tpu.wait_dma2 semaphore(%arg18 : memref<!tpu.dma_semaphore, #tpu.memory_space<semaphore_mem>>) src(%arg10 : memref<128x128xf32, #tpu.memory_space<vmem>>) dst(%dma_wait3A_180 : memref<128x128xf32, #tpu.memory_space<hbm>>)
    %dma_wait3A_181 = arith.constant 0 : i32
    %dma_wait3A_182 = tpu.memref_slice %arg7[%add3A_146, %dma_wait3A_181] : memref<16384x128xf32, #tpu.memory_space<hbm>> -> memref<128x128xf32, #tpu.memory_space<hbm>>
    %dma_wait3A_183 = arith.constant 0 : i32
    %dma_wait3A_184 = tpu.memref_slice %arg7[%add3A_146, %dma_wait3A_183] : memref<16384x128xf32, #tpu.memory_space<hbm>> -> memref<128x128xf32, #tpu.memory_space<hbm>>
    tpu.wait_dma2 semaphore(%arg19 : memref<!tpu.dma_semaphore, #tpu.memory_space<semaphore_mem>>) src(%arg11 : memref<128x128xf32, #tpu.memory_space<vmem>>) dst(%dma_wait3A_184 : memref<128x128xf32, #tpu.memory_space<hbm>>)
    %dma_wait3A_185 = arith.constant 0 : i32
    %dma_wait3A_186 = tpu.memref_slice %arg7[%add3A_159, %dma_wait3A_185] : memref<16384x128xf32, #tpu.memory_space<hbm>> -> memref<128x128xf32, #tpu.memory_space<hbm>>
    %dma_wait3A_187 = arith.constant 0 : i32
    %dma_wait3A_188 = tpu.memref_slice %arg7[%add3A_159, %dma_wait3A_187] : memref<16384x128xf32, #tpu.memory_space<hbm>> -> memref<128x128xf32, #tpu.memory_space<hbm>>
    tpu.wait_dma2 semaphore(%arg20 : memref<!tpu.dma_semaphore, #tpu.memory_space<semaphore_mem>>) src(%arg12 : memref<128x128xf32, #tpu.memory_space<vmem>>) dst(%dma_wait3A_188 : memref<128x128xf32, #tpu.memory_space<hbm>>)
    %dma_wait3A_189 = arith.constant 0 : i32
    %dma_wait3A_190 = tpu.memref_slice %arg7[%add3A_172, %dma_wait3A_189] : memref<16384x128xf32, #tpu.memory_space<hbm>> -> memref<128x128xf32, #tpu.memory_space<hbm>>
    %dma_wait3A_191 = arith.constant 0 : i32
    %dma_wait3A_192 = tpu.memref_slice %arg7[%add3A_172, %dma_wait3A_191] : memref<16384x128xf32, #tpu.memory_space<hbm>> -> memref<128x128xf32, #tpu.memory_space<hbm>>
    tpu.wait_dma2 semaphore(%arg21 : memref<!tpu.dma_semaphore, #tpu.memory_space<semaphore_mem>>) src(%arg13 : memref<128x128xf32, #tpu.memory_space<vmem>>) dst(%dma_wait3A_192 : memref<128x128xf32, #tpu.memory_space<hbm>>)
    return
  }
}

module attributes {stable_mosaic.version = 14 : i64} {
  func.func @_tp_body(%arg0: i32, %arg1: memref<64x16128xf32, #tpu.memory_space<vmem>>, %arg2: memref<64x16128xf32, #tpu.memory_space<vmem>>, %arg3: memref<4032x128xf32, #tpu.memory_space<vmem>>, %arg4: memref<4032x128xf32, #tpu.memory_space<vmem>>) attributes {dimension_semantics = [#tpu.dimension_semantics<arbitrary>], iteration_bounds = array<i64: 62>, scalar_prefetch = 0 : i64, scratch_operands = 0 : i64, tpu.core_type = #tpu.core_type<tc>, window_params = [{transform_indices = @transform_0, window_bounds = array<i64: 64, 16128>}, {transform_indices = @transform_1, window_bounds = array<i64: 64, 16128>}, {transform_indices = @transform_2, window_bounds = array<i64: 4032, 128>}, {transform_indices = @transform_3, window_bounds = array<i64: 4032, 128>}]} {
    %iota3A = tpu.iota {dimensions = array<i32: 0>} : vector<64x64xi32>
    %iota3A_0 = tpu.iota {dimensions = array<i32: 1>} : vector<64x64xi32>
    %eq3A = arith.cmpi eq, %iota3A, %iota3A_0 : vector<64x64xi32>
    %convert_element_type3A = arith.extui %eq3A : vector<64x64xi1> to vector<64x64xi32>
    %convert_element_type3A_1 = arith.sitofp %convert_element_type3A : vector<64x64xi32> to vector<64x64xf32>
    %get3A = arith.constant 0 : index
    %get3A_2 = arith.constant 0 : index
    %get3A_3 = vector.load %arg1[%get3A, %get3A_2] : memref<64x16128xf32, #tpu.memory_space<vmem>>, vector<64x16128xf32>
    %slice3A = vector.extract_strided_slice %get3A_3 {offsets = [0, 0], sizes = [64, 8064], strides = [1, 1]} : vector<64x16128xf32> to vector<64x8064xf32>
    %dot_general3A = arith.constant dense<0.000000e+00> : vector<8064x64xf32>
    %dot_general3A_4 = tpu.matmul %slice3A, %convert_element_type3A_1, %dot_general3A {dimension_numbers = #tpu.dot_dimension_numbers<[0], [0], [1], [1], [0, 1, 1, 1], [], []>, transpose_lhs_hint = false} : vector<64x8064xf32>, vector<64x64xf32>, vector<8064x64xf32> -> vector<8064x64xf32>
    %convert_element_type3A_5 = arith.truncf %dot_general3A_4 : vector<8064x64xf32> to vector<8064x64xbf16>
    %bitcast3A = tpu.bitcast %convert_element_type3A_5 : vector<8064x64xbf16> -> vector<4032x64xf32>
    %slice3A_6 = vector.extract_strided_slice %get3A_3 {offsets = [0, 8064], sizes = [64, 8064], strides = [1, 1]} : vector<64x16128xf32> to vector<64x8064xf32>
    %dot_general3A_7 = arith.constant dense<0.000000e+00> : vector<8064x64xf32>
    %dot_general3A_8 = tpu.matmul %slice3A_6, %convert_element_type3A_1, %dot_general3A_7 {dimension_numbers = #tpu.dot_dimension_numbers<[0], [0], [1], [1], [0, 1, 1, 1], [], []>, transpose_lhs_hint = false} : vector<64x8064xf32>, vector<64x64xf32>, vector<8064x64xf32> -> vector<8064x64xf32>
    %convert_element_type3A_9 = arith.truncf %dot_general3A_8 : vector<8064x64xf32> to vector<8064x64xbf16>
    %bitcast3A_10 = tpu.bitcast %convert_element_type3A_9 : vector<8064x64xbf16> -> vector<4032x64xf32>
    %concatenate3A = tpu.concatenate %bitcast3A, %bitcast3A_10 in 1 : vector<4032x64xf32>, vector<4032x64xf32> -> vector<4032x128xf32>
    %swap3A = arith.constant 0 : index
    %swap3A_11 = arith.constant 0 : index
    %swap3A_12 = vector.load %arg3[%swap3A, %swap3A_11] : memref<4032x128xf32, #tpu.memory_space<vmem>>, vector<4032x128xf32>
    tpu.vector_store %arg3[%swap3A, %swap3A_11], %concatenate3A {strides = array<i32>} : memref<4032x128xf32, #tpu.memory_space<vmem>>, vector<4032x128xf32>,
    %get3A_13 = arith.constant 0 : index
    %get3A_14 = arith.constant 0 : index
    %get3A_15 = vector.load %arg2[%get3A_13, %get3A_14] : memref<64x16128xf32, #tpu.memory_space<vmem>>, vector<64x16128xf32>
    %slice3A_16 = vector.extract_strided_slice %get3A_15 {offsets = [0, 0], sizes = [64, 8064], strides = [1, 1]} : vector<64x16128xf32> to vector<64x8064xf32>
    %dot_general3A_17 = arith.constant dense<0.000000e+00> : vector<8064x64xf32>
    %dot_general3A_18 = tpu.matmul %slice3A_16, %convert_element_type3A_1, %dot_general3A_17 {dimension_numbers = #tpu.dot_dimension_numbers<[0], [0], [1], [1], [0, 1, 1, 1], [], []>, transpose_lhs_hint = false} : vector<64x8064xf32>, vector<64x64xf32>, vector<8064x64xf32> -> vector<8064x64xf32>
    %convert_element_type3A_19 = arith.truncf %dot_general3A_18 : vector<8064x64xf32> to vector<8064x64xbf16>
    %bitcast3A_20 = tpu.bitcast %convert_element_type3A_19 : vector<8064x64xbf16> -> vector<4032x64xf32>
    %slice3A_21 = vector.extract_strided_slice %get3A_15 {offsets = [0, 8064], sizes = [64, 8064], strides = [1, 1]} : vector<64x16128xf32> to vector<64x8064xf32>
    %dot_general3A_22 = arith.constant dense<0.000000e+00> : vector<8064x64xf32>
    %dot_general3A_23 = tpu.matmul %slice3A_21, %convert_element_type3A_1, %dot_general3A_22 {dimension_numbers = #tpu.dot_dimension_numbers<[0], [0], [1], [1], [0, 1, 1, 1], [], []>, transpose_lhs_hint = false} : vector<64x8064xf32>, vector<64x64xf32>, vector<8064x64xf32> -> vector<8064x64xf32>
    %convert_element_type3A_24 = arith.truncf %dot_general3A_23 : vector<8064x64xf32> to vector<8064x64xbf16>
    %bitcast3A_25 = tpu.bitcast %convert_element_type3A_24 : vector<8064x64xbf16> -> vector<4032x64xf32>
    %concatenate3A_26 = tpu.concatenate %bitcast3A_20, %bitcast3A_25 in 1 : vector<4032x64xf32>, vector<4032x64xf32> -> vector<4032x128xf32>
    %swap3A_27 = arith.constant 0 : index
    %swap3A_28 = arith.constant 0 : index
    %swap3A_29 = vector.load %arg4[%swap3A_27, %swap3A_28] : memref<4032x128xf32, #tpu.memory_space<vmem>>, vector<4032x128xf32>
    tpu.vector_store %arg4[%swap3A_27, %swap3A_28], %concatenate3A_26 {strides = array<i32>} : memref<4032x128xf32, #tpu.memory_space<vmem>>, vector<4032x128xf32>,
    return
  }
  func.func @transform_0(%arg0: i32) -> (i32, i32) {
    %c0_i32 = arith.constant 0 : i32
    %c0_i32_0 = arith.constant 0 : i32
    return %c0_i32, %arg0 : i32, i32
  }
  func.func @transform_1(%arg0: i32) -> (i32, i32) {
    %c0_i32 = arith.constant 0 : i32
    %c0_i32_0 = arith.constant 0 : i32
    return %c0_i32, %arg0 : i32, i32
  }
  func.func @transform_2(%arg0: i32) -> (i32, i32) {
    %c0_i32 = arith.constant 0 : i32
    %c0_i32_0 = arith.constant 0 : i32
    return %arg0, %c0_i32 : i32, i32
  }
  func.func @transform_3(%arg0: i32) -> (i32, i32) {
    %c0_i32 = arith.constant 0 : i32
    %c0_i32_0 = arith.constant 0 : i32
    return %arg0, %c0_i32 : i32, i32
  }
}

module attributes {stable_mosaic.version = 14 : i64} {
  func.func @_mlp_body(%arg0: i32, %arg1: memref<2048x128xf32, #tpu.memory_space<vmem>>, %arg2: memref<2048x128xf32, #tpu.memory_space<vmem>>, %arg3: memref<2048x1xi32, #tpu.memory_space<vmem>>, %arg4: memref<2048x1xi32, #tpu.memory_space<vmem>>, %arg5: memref<2048x64xf32, #tpu.memory_space<vmem>>, %arg6: memref<2048x64xf32, #tpu.memory_space<vmem>>, %arg7: memref<64x64xf32, #tpu.memory_space<vmem>>, %arg8: memref<64x64xf32, #tpu.memory_space<vmem>>, %arg9: memref<64x32xf32, #tpu.memory_space<vmem>>, %arg10: memref<64x32xf32, #tpu.memory_space<vmem>>, %arg11: memref<1x32xf32, #tpu.memory_space<vmem>>, %arg12: memref<32x16xf32, #tpu.memory_space<vmem>>, %arg13: memref<1x16xf32, #tpu.memory_space<vmem>>, %arg14: memref<1x16xf32, #tpu.memory_space<vmem>>, %arg15: memref<1x1xf32, #tpu.memory_space<vmem>>, %arg16: memref<2048xf32, #tpu.memory_space<vmem>>) attributes {dimension_semantics = [#tpu.dimension_semantics<arbitrary>], iteration_bounds = array<i64: 8>, scalar_prefetch = 0 : i64, scratch_operands = 0 : i64, tpu.core_type = #tpu.core_type<tc>, window_params = [{transform_indices = @transform_0, window_bounds = array<i64: 2048, 128>}, {transform_indices = @transform_1, window_bounds = array<i64: 2048, 128>}, {transform_indices = @transform_2, window_bounds = array<i64: 2048, 1>}, {transform_indices = @transform_3, window_bounds = array<i64: 2048, 1>}, {transform_indices = @transform_4, window_bounds = array<i64: 2048, 64>}, {transform_indices = @transform_5, window_bounds = array<i64: 2048, 64>}, {pipeline_mode = #tpu.pipeline_mode<synchronous>, transform_indices = @transform_6, window_bounds = array<i64: 64, 64>}, {pipeline_mode = #tpu.pipeline_mode<synchronous>, transform_indices = @transform_7, window_bounds = array<i64: 64, 64>}, {pipeline_mode = #tpu.pipeline_mode<synchronous>, transform_indices = @transform_8, window_bounds = array<i64: 64, 32>}, {pipeline_mode = #tpu.pipeline_mode<synchronous>, transform_indices = @transform_9, window_bounds = array<i64: 64, 32>}, {pipeline_mode = #tpu.pipeline_mode<synchronous>, transform_indices = @transform_10, window_bounds = array<i64: 1, 32>}, {pipeline_mode = #tpu.pipeline_mode<synchronous>, transform_indices = @transform_11, window_bounds = array<i64: 32, 16>}, {pipeline_mode = #tpu.pipeline_mode<synchronous>, transform_indices = @transform_12, window_bounds = array<i64: 1, 16>}, {pipeline_mode = #tpu.pipeline_mode<synchronous>, transform_indices = @transform_13, window_bounds = array<i64: 1, 16>}, {pipeline_mode = #tpu.pipeline_mode<synchronous>, transform_indices = @transform_14, window_bounds = array<i64: 1, 1>}, {transform_indices = @transform_15, window_bounds = array<i64: 2048>}]} {
    %get3A = arith.constant 0 : index
    %get3A_0 = arith.constant 0 : index
    %get3A_1 = vector.load %arg1[%get3A, %get3A_0] : memref<2048x128xf32, #tpu.memory_space<vmem>>, vector<2048x128xf32>
    %get3A_2 = arith.constant 0 : index
    %get3A_3 = arith.constant 0 : index
    %get3A_4 = vector.load %arg2[%get3A_2, %get3A_3] : memref<2048x128xf32, #tpu.memory_space<vmem>>, vector<2048x128xf32>
    %get3A_5 = arith.constant 0 : index
    %get3A_6 = arith.constant 0 : index
    %get3A_7 = vector.load %arg3[%get3A_5, %get3A_6] : memref<2048x1xi32, #tpu.memory_space<vmem>>, vector<2048x1xi32>
    %ge3A = arith.constant 2 : i32
    %ge3A_8 = vector.broadcast %ge3A : i32 to vector<2048x1xi32>
    %ge3A_9 = arith.cmpi sge, %get3A_7, %ge3A_8 : vector<2048x1xi32>
    %slice3A = vector.extract_strided_slice %get3A_1 {offsets = [0, 64], sizes = [2048, 64], strides = [1, 1]} : vector<2048x128xf32> to vector<2048x64xf32>
    %slice3A_10 = vector.extract_strided_slice %get3A_1 {offsets = [0, 0], sizes = [2048, 64], strides = [1, 1]} : vector<2048x128xf32> to vector<2048x64xf32>
    %broadcast_in_dim3A = vector.shape_cast %ge3A_9 : vector<2048x1xi1> to vector<2048x1xi1>
    %broadcast_in_dim3A_11 = vector.broadcast %broadcast_in_dim3A : vector<2048x1xi1> to vector<2048x64xi1>
    %select_n3A = arith.select %broadcast_in_dim3A_11, %slice3A, %slice3A_10 : vector<2048x64xi1>, vector<2048x64xf32>
    %bitcast_convert_type3A = tpu.bitcast %select_n3A : vector<2048x64xf32> -> vector<2048x64xi32>
    %shift_left3A = arith.constant 16 : i32
    %shift_left3A_12 = vector.broadcast %shift_left3A : i32 to vector<2048x64xi32>
    %shift_left3A_13 = arith.shli %bitcast_convert_type3A, %shift_left3A_12 : vector<2048x64xi32>
    %bitcast_convert_type3A_14 = tpu.bitcast %shift_left3A_13 : vector<2048x64xi32> -> vector<2048x64xf32>
    %and3A = arith.constant -65536 : i32
    %and3A_15 = vector.broadcast %and3A : i32 to vector<2048x64xi32>
    %and3A_16 = arith.andi %bitcast_convert_type3A, %and3A_15 : vector<2048x64xi32>
    %bitcast_convert_type3A_17 = tpu.bitcast %and3A_16 : vector<2048x64xi32> -> vector<2048x64xf32>
    %jit3A = arith.constant 2 : i32
    %eq3A = arith.constant 0 : i32
    %eq3A_18 = arith.cmpi eq, %jit3A, %eq3A : i32
    %jit3A_19 = arith.constant 1 : i32
    %select_n3A_20 = arith.select %eq3A_18, %jit3A_19, %jit3A : i32
    %rem3A = vector.broadcast %select_n3A_20 : i32 to vector<2048x1xi32>
    %rem3A_21 = arith.remsi %get3A_7, %rem3A : vector<2048x1xi32>
    %ne3A = arith.constant 0 : i32
    %ne3A_22 = vector.broadcast %ne3A : i32 to vector<2048x1xi32>
    %ne3A_23 = arith.cmpi ne, %rem3A_21, %ne3A_22 : vector<2048x1xi32>
    %lt3A = arith.constant 0 : i32
    %lt3A_24 = vector.broadcast %lt3A : i32 to vector<2048x1xi32>
    %lt3A_25 = arith.cmpi slt, %rem3A_21, %lt3A_24 : vector<2048x1xi32>
    %lt3A_26 = arith.constant 0 : i32
    %lt3A_27 = arith.cmpi slt, %select_n3A_20, %lt3A_26 : i32
    %ne3A_28 = vector.broadcast %lt3A_27 : i1 to vector<2048x1xi1>
    %ne3A_29 = vector.broadcast %ne3A_28 : vector<2048x1xi1> to vector<2048x1xi1>
    %ne3A_30 = arith.xori %lt3A_25, %ne3A_29 : vector<2048x1xi1>
    %and3A_31 = arith.andi %ne3A_30, %ne3A_23 : vector<2048x1xi1>
    %add3A = vector.broadcast %select_n3A_20 : i32 to vector<2048x1xi32>
    %add3A_32 = arith.addi %rem3A_21, %add3A : vector<2048x1xi32>
    %select_n3A_33 = arith.select %and3A_31, %add3A_32, %rem3A_21 : vector<2048x1xi1>, vector<2048x1xi32>
    %eq3A_34 = arith.constant 0 : i32
    %eq3A_35 = vector.broadcast %eq3A_34 : i32 to vector<2048x1xi32>
    %eq3A_36 = arith.cmpi eq, %select_n3A_33, %eq3A_35 : vector<2048x1xi32>
    %broadcast_in_dim3A_37 = vector.shape_cast %eq3A_36 : vector<2048x1xi1> to vector<2048x1xi1>
    %broadcast_in_dim3A_38 = vector.broadcast %broadcast_in_dim3A_37 : vector<2048x1xi1> to vector<2048x64xi1>
    %select_n3A_39 = arith.select %broadcast_in_dim3A_38, %bitcast_convert_type3A_14, %bitcast_convert_type3A_17 : vector<2048x64xi1>, vector<2048x64xf32>
    %get3A_40 = arith.constant 0 : index
    %get3A_41 = arith.constant 0 : index
    %get3A_42 = vector.load %arg4[%get3A_40, %get3A_41] : memref<2048x1xi32, #tpu.memory_space<vmem>>, vector<2048x1xi32>
    %ge3A_43 = arith.constant 2 : i32
    %ge3A_44 = vector.broadcast %ge3A_43 : i32 to vector<2048x1xi32>
    %ge3A_45 = arith.cmpi sge, %get3A_42, %ge3A_44 : vector<2048x1xi32>
    %slice3A_46 = vector.extract_strided_slice %get3A_4 {offsets = [0, 64], sizes = [2048, 64], strides = [1, 1]} : vector<2048x128xf32> to vector<2048x64xf32>
    %slice3A_47 = vector.extract_strided_slice %get3A_4 {offsets = [0, 0], sizes = [2048, 64], strides = [1, 1]} : vector<2048x128xf32> to vector<2048x64xf32>
    %broadcast_in_dim3A_48 = vector.shape_cast %ge3A_45 : vector<2048x1xi1> to vector<2048x1xi1>
    %broadcast_in_dim3A_49 = vector.broadcast %broadcast_in_dim3A_48 : vector<2048x1xi1> to vector<2048x64xi1>
    %select_n3A_50 = arith.select %broadcast_in_dim3A_49, %slice3A_46, %slice3A_47 : vector<2048x64xi1>, vector<2048x64xf32>
    %bitcast_convert_type3A_51 = tpu.bitcast %select_n3A_50 : vector<2048x64xf32> -> vector<2048x64xi32>
    %shift_left3A_52 = arith.constant 16 : i32
    %shift_left3A_53 = vector.broadcast %shift_left3A_52 : i32 to vector<2048x64xi32>
    %shift_left3A_54 = arith.shli %bitcast_convert_type3A_51, %shift_left3A_53 : vector<2048x64xi32>
    %bitcast_convert_type3A_55 = tpu.bitcast %shift_left3A_54 : vector<2048x64xi32> -> vector<2048x64xf32>
    %and3A_56 = arith.constant -65536 : i32
    %and3A_57 = vector.broadcast %and3A_56 : i32 to vector<2048x64xi32>
    %and3A_58 = arith.andi %bitcast_convert_type3A_51, %and3A_57 : vector<2048x64xi32>
    %bitcast_convert_type3A_59 = tpu.bitcast %and3A_58 : vector<2048x64xi32> -> vector<2048x64xf32>
    %jit3A_60 = arith.constant 2 : i32
    %eq3A_61 = arith.constant 0 : i32
    %eq3A_62 = arith.cmpi eq, %jit3A_60, %eq3A_61 : i32
    %jit3A_63 = arith.constant 1 : i32
    %select_n3A_64 = arith.select %eq3A_62, %jit3A_63, %jit3A_60 : i32
    %rem3A_65 = vector.broadcast %select_n3A_64 : i32 to vector<2048x1xi32>
    %rem3A_66 = arith.remsi %get3A_42, %rem3A_65 : vector<2048x1xi32>
    %ne3A_67 = arith.constant 0 : i32
    %ne3A_68 = vector.broadcast %ne3A_67 : i32 to vector<2048x1xi32>
    %ne3A_69 = arith.cmpi ne, %rem3A_66, %ne3A_68 : vector<2048x1xi32>
    %lt3A_70 = arith.constant 0 : i32
    %lt3A_71 = vector.broadcast %lt3A_70 : i32 to vector<2048x1xi32>
    %lt3A_72 = arith.cmpi slt, %rem3A_66, %lt3A_71 : vector<2048x1xi32>
    %lt3A_73 = arith.constant 0 : i32
    %lt3A_74 = arith.cmpi slt, %select_n3A_64, %lt3A_73 : i32
    %ne3A_75 = vector.broadcast %lt3A_74 : i1 to vector<2048x1xi1>
    %ne3A_76 = vector.broadcast %ne3A_75 : vector<2048x1xi1> to vector<2048x1xi1>
    %ne3A_77 = arith.xori %lt3A_72, %ne3A_76 : vector<2048x1xi1>
    %and3A_78 = arith.andi %ne3A_77, %ne3A_69 : vector<2048x1xi1>
    %add3A_79 = vector.broadcast %select_n3A_64 : i32 to vector<2048x1xi32>
    %add3A_80 = arith.addi %rem3A_66, %add3A_79 : vector<2048x1xi32>
    %select_n3A_81 = arith.select %and3A_78, %add3A_80, %rem3A_66 : vector<2048x1xi1>, vector<2048x1xi32>
    %eq3A_82 = arith.constant 0 : i32
    %eq3A_83 = vector.broadcast %eq3A_82 : i32 to vector<2048x1xi32>
    %eq3A_84 = arith.cmpi eq, %select_n3A_81, %eq3A_83 : vector<2048x1xi32>
    %broadcast_in_dim3A_85 = vector.shape_cast %eq3A_84 : vector<2048x1xi1> to vector<2048x1xi1>
    %broadcast_in_dim3A_86 = vector.broadcast %broadcast_in_dim3A_85 : vector<2048x1xi1> to vector<2048x64xi1>
    %select_n3A_87 = arith.select %broadcast_in_dim3A_86, %bitcast_convert_type3A_55, %bitcast_convert_type3A_59 : vector<2048x64xi1>, vector<2048x64xf32>
    %get3A_88 = arith.constant 0 : index
    %get3A_89 = arith.constant 0 : index
    %get3A_90 = vector.load %arg3[%get3A_88, %get3A_89] : memref<2048x1xi32, #tpu.memory_space<vmem>>, vector<2048x1xi32>
    %lt3A_91 = arith.constant 0 : i32
    %lt3A_92 = vector.broadcast %lt3A_91 : i32 to vector<2048x1xi32>
    %lt3A_93 = arith.cmpi slt, %get3A_90, %lt3A_92 : vector<2048x1xi32>
    %get3A_94 = arith.constant 0 : index
    %get3A_95 = arith.constant 0 : index
    %get3A_96 = vector.load %arg5[%get3A_94, %get3A_95] : memref<2048x64xf32, #tpu.memory_space<vmem>>, vector<2048x64xf32>
    %get3A_97 = arith.constant 0 : index
    %get3A_98 = arith.constant 0 : index
    %get3A_99 = vector.load %arg7[%get3A_97, %get3A_98] : memref<64x64xf32, #tpu.memory_space<vmem>>, vector<64x64xf32>
    %dot_general3A = arith.constant dense<0.000000e+00> : vector<2048x64xf32>
    %dot_general3A_100 = tpu.matmul %get3A_96, %get3A_99, %dot_general3A {dimension_numbers = #tpu.dot_dimension_numbers<[1], [0], [0], [1], [0, 0, 1, 1], [], []>, transpose_lhs_hint = false} : vector<2048x64xf32>, vector<64x64xf32>, vector<2048x64xf32> -> vector<2048x64xf32>
    %broadcast_in_dim3A_101 = vector.shape_cast %lt3A_93 : vector<2048x1xi1> to vector<2048x1xi1>
    %broadcast_in_dim3A_102 = vector.broadcast %broadcast_in_dim3A_101 : vector<2048x1xi1> to vector<2048x64xi1>
    %select_n3A_103 = arith.select %broadcast_in_dim3A_102, %dot_general3A_100, %select_n3A_39 : vector<2048x64xi1>, vector<2048x64xf32>
    %get3A_104 = arith.constant 0 : index
    %get3A_105 = arith.constant 0 : index
    %get3A_106 = vector.load %arg4[%get3A_104, %get3A_105] : memref<2048x1xi32, #tpu.memory_space<vmem>>, vector<2048x1xi32>
    %lt3A_107 = arith.constant 0 : i32
    %lt3A_108 = vector.broadcast %lt3A_107 : i32 to vector<2048x1xi32>
    %lt3A_109 = arith.cmpi slt, %get3A_106, %lt3A_108 : vector<2048x1xi32>
    %get3A_110 = arith.constant 0 : index
    %get3A_111 = arith.constant 0 : index
    %get3A_112 = vector.load %arg6[%get3A_110, %get3A_111] : memref<2048x64xf32, #tpu.memory_space<vmem>>, vector<2048x64xf32>
    %get3A_113 = arith.constant 0 : index
    %get3A_114 = arith.constant 0 : index
    %get3A_115 = vector.load %arg8[%get3A_113, %get3A_114] : memref<64x64xf32, #tpu.memory_space<vmem>>, vector<64x64xf32>
    %dot_general3A_116 = arith.constant dense<0.000000e+00> : vector<2048x64xf32>
    %dot_general3A_117 = tpu.matmul %get3A_112, %get3A_115, %dot_general3A_116 {dimension_numbers = #tpu.dot_dimension_numbers<[1], [0], [0], [1], [0, 0, 1, 1], [], []>, transpose_lhs_hint = false} : vector<2048x64xf32>, vector<64x64xf32>, vector<2048x64xf32> -> vector<2048x64xf32>
    %broadcast_in_dim3A_118 = vector.shape_cast %lt3A_109 : vector<2048x1xi1> to vector<2048x1xi1>
    %broadcast_in_dim3A_119 = vector.broadcast %broadcast_in_dim3A_118 : vector<2048x1xi1> to vector<2048x64xi1>
    %select_n3A_120 = arith.select %broadcast_in_dim3A_119, %dot_general3A_117, %select_n3A_87 : vector<2048x64xi1>, vector<2048x64xf32>
    %get3A_121 = arith.constant 0 : index
    %get3A_122 = arith.constant 0 : index
    %get3A_123 = vector.load %arg9[%get3A_121, %get3A_122] : memref<64x32xf32, #tpu.memory_space<vmem>>, vector<64x32xf32>
    %dot_general3A_124 = arith.constant dense<0.000000e+00> : vector<2048x32xf32>
    %dot_general3A_125 = tpu.matmul %select_n3A_103, %get3A_123, %dot_general3A_124 {dimension_numbers = #tpu.dot_dimension_numbers<[1], [0], [0], [1], [0, 0, 1, 1], [], []>, transpose_lhs_hint = false} : vector<2048x64xf32>, vector<64x32xf32>, vector<2048x32xf32> -> vector<2048x32xf32>
    %get3A_126 = arith.constant 0 : index
    %get3A_127 = arith.constant 0 : index
    %get3A_128 = vector.load %arg10[%get3A_126, %get3A_127] : memref<64x32xf32, #tpu.memory_space<vmem>>, vector<64x32xf32>
    %dot_general3A_129 = arith.constant dense<0.000000e+00> : vector<2048x32xf32>
    %dot_general3A_130 = tpu.matmul %select_n3A_120, %get3A_128, %dot_general3A_129 {dimension_numbers = #tpu.dot_dimension_numbers<[1], [0], [0], [1], [0, 0, 1, 1], [], []>, transpose_lhs_hint = false} : vector<2048x64xf32>, vector<64x32xf32>, vector<2048x32xf32> -> vector<2048x32xf32>
    %add3A_131 = arith.addf %dot_general3A_125, %dot_general3A_130 : vector<2048x32xf32>
    %get3A_132 = arith.constant 0 : index
    %get3A_133 = arith.constant 0 : index
    %get3A_134 = vector.load %arg11[%get3A_132, %get3A_133] : memref<1x32xf32, #tpu.memory_space<vmem>>, vector<1x32xf32>
    %add3A_135 = vector.broadcast %get3A_134 : vector<1x32xf32> to vector<2048x32xf32>
    %add3A_136 = arith.addf %add3A_131, %add3A_135 : vector<2048x32xf32>
    %max3A = arith.constant 0.000000e+00 : f32
    %max3A_137 = vector.broadcast %max3A : f32 to vector<2048x32xf32>
    %max3A_138 = arith.maximumf %add3A_136, %max3A_137 : vector<2048x32xf32>
    %get3A_139 = arith.constant 0 : index
    %get3A_140 = arith.constant 0 : index
    %get3A_141 = vector.load %arg12[%get3A_139, %get3A_140] : memref<32x16xf32, #tpu.memory_space<vmem>>, vector<32x16xf32>
    %dot_general3A_142 = arith.constant dense<0.000000e+00> : vector<2048x16xf32>
    %dot_general3A_143 = tpu.matmul %max3A_138, %get3A_141, %dot_general3A_142 {dimension_numbers = #tpu.dot_dimension_numbers<[1], [0], [0], [1], [0, 0, 1, 1], [], []>, transpose_lhs_hint = false} : vector<2048x32xf32>, vector<32x16xf32>, vector<2048x16xf32> -> vector<2048x16xf32>
    %get3A_144 = arith.constant 0 : index
    %get3A_145 = arith.constant 0 : index
    %get3A_146 = vector.load %arg13[%get3A_144, %get3A_145] : memref<1x16xf32, #tpu.memory_space<vmem>>, vector<1x16xf32>
    %add3A_147 = vector.broadcast %get3A_146 : vector<1x16xf32> to vector<2048x16xf32>
    %add3A_148 = arith.addf %dot_general3A_143, %add3A_147 : vector<2048x16xf32>
    %max3A_149 = arith.constant 0.000000e+00 : f32
    %max3A_150 = vector.broadcast %max3A_149 : f32 to vector<2048x16xf32>
    %max3A_151 = arith.maximumf %add3A_148, %max3A_150 : vector<2048x16xf32>
    %get3A_152 = arith.constant 0 : index
    %get3A_153 = arith.constant 0 : index
    %get3A_154 = vector.load %arg14[%get3A_152, %get3A_153] : memref<1x16xf32, #tpu.memory_space<vmem>>, vector<1x16xf32>
    %mul3A = vector.broadcast %get3A_154 : vector<1x16xf32> to vector<2048x16xf32>
    %mul3A_155 = arith.mulf %max3A_151, %mul3A : vector<2048x16xf32>
    %reduce_sum3A = arith.constant dense<0.000000e+00> : vector<2048xf32>
    %reduce_sum3A_156 = vector.multi_reduction <add>, %mul3A_155, %reduce_sum3A [1] : vector<2048x16xf32> to vector<2048xf32>
    %get3A_157 = arith.constant 0 : index
    %get3A_158 = arith.constant 0 : index
    %get3A_159 = vector.load %arg15[%get3A_157, %get3A_158] : memref<1x1xf32, #tpu.memory_space<vmem>>, vector<1x1xf32>
    %get3A_160 = vector.extract %get3A_159[0, 0] : f32 from vector<1x1xf32>
    %add3A_161 = vector.broadcast %get3A_160 : f32 to vector<2048xf32>
    %add3A_162 = arith.addf %reduce_sum3A_156, %add3A_161 : vector<2048xf32>
    %neg3A = arith.constant 0.000000e+00 : f32
    %neg3A_163 = vector.broadcast %neg3A : f32 to vector<2048xf32>
    %neg3A_164 = arith.subf %neg3A_163, %add3A_162 : vector<2048xf32>
    %exp3A = math.exp %neg3A_164 : vector<2048xf32>
    %add3A_165 = arith.constant 1.000000e+00 : f32
    %add3A_166 = vector.broadcast %add3A_165 : f32 to vector<2048xf32>
    %add3A_167 = arith.addf %add3A_166, %exp3A : vector<2048xf32>
    %div3A = arith.constant 1.000000e+00 : f32
    %div3A_168 = vector.broadcast %div3A : f32 to vector<2048xf32>
    %div3A_169 = arith.divf %div3A_168, %add3A_167 : vector<2048xf32>
    %swap3A = arith.constant 0 : index
    %swap3A_170 = vector.load %arg16[%swap3A] : memref<2048xf32, #tpu.memory_space<vmem>>, vector<2048xf32>
    tpu.vector_store %arg16[%swap3A], %div3A_169 {strides = array<i32>} : memref<2048xf32, #tpu.memory_space<vmem>>, vector<2048xf32>,
    return
  }
  func.func @transform_0(%arg0: i32) -> (i32, i32) {
    %c0_i32 = arith.constant 0 : i32
    %c0_i32_0 = arith.constant 0 : i32
    return %arg0, %c0_i32 : i32, i32
  }
  func.func @transform_1(%arg0: i32) -> (i32, i32) {
    %c0_i32 = arith.constant 0 : i32
    %c0_i32_0 = arith.constant 0 : i32
    return %arg0, %c0_i32 : i32, i32
  }
  func.func @transform_2(%arg0: i32) -> (i32, i32) {
    %c0_i32 = arith.constant 0 : i32
    %c0_i32_0 = arith.constant 0 : i32
    return %arg0, %c0_i32 : i32, i32
  }
  func.func @transform_3(%arg0: i32) -> (i32, i32) {
    %c0_i32 = arith.constant 0 : i32
    %c0_i32_0 = arith.constant 0 : i32
    return %arg0, %c0_i32 : i32, i32
  }
  func.func @transform_4(%arg0: i32) -> (i32, i32) {
    %c0_i32 = arith.constant 0 : i32
    %c0_i32_0 = arith.constant 0 : i32
    return %arg0, %c0_i32 : i32, i32
  }
  func.func @transform_5(%arg0: i32) -> (i32, i32) {
    %c0_i32 = arith.constant 0 : i32
    %c0_i32_0 = arith.constant 0 : i32
    return %arg0, %c0_i32 : i32, i32
  }
  func.func @transform_6(%arg0: i32) -> (i32, i32) {
    %c0_i32 = arith.constant 0 : i32
    %c0_i32_0 = arith.constant 0 : i32
    %c0_i32_1 = arith.constant 0 : i32
    return %c0_i32, %c0_i32_0 : i32, i32
  }
  func.func @transform_7(%arg0: i32) -> (i32, i32) {
    %c0_i32 = arith.constant 0 : i32
    %c0_i32_0 = arith.constant 0 : i32
    %c0_i32_1 = arith.constant 0 : i32
    return %c0_i32, %c0_i32_0 : i32, i32
  }
  func.func @transform_8(%arg0: i32) -> (i32, i32) {
    %c0_i32 = arith.constant 0 : i32
    %c0_i32_0 = arith.constant 0 : i32
    %c0_i32_1 = arith.constant 0 : i32
    return %c0_i32, %c0_i32_0 : i32, i32
  }
  func.func @transform_9(%arg0: i32) -> (i32, i32) {
    %c0_i32 = arith.constant 0 : i32
    %c0_i32_0 = arith.constant 0 : i32
    %c0_i32_1 = arith.constant 0 : i32
    return %c0_i32, %c0_i32_0 : i32, i32
  }
  func.func @transform_10(%arg0: i32) -> (i32, i32) {
    %c0_i32 = arith.constant 0 : i32
    %c0_i32_0 = arith.constant 0 : i32
    %c0_i32_1 = arith.constant 0 : i32
    return %c0_i32, %c0_i32_0 : i32, i32
  }
  func.func @transform_11(%arg0: i32) -> (i32, i32) {
    %c0_i32 = arith.constant 0 : i32
    %c0_i32_0 = arith.constant 0 : i32
    %c0_i32_1 = arith.constant 0 : i32
    return %c0_i32, %c0_i32_0 : i32, i32
  }
  func.func @transform_12(%arg0: i32) -> (i32, i32) {
    %c0_i32 = arith.constant 0 : i32
    %c0_i32_0 = arith.constant 0 : i32
    %c0_i32_1 = arith.constant 0 : i32
    return %c0_i32, %c0_i32_0 : i32, i32
  }
  func.func @transform_13(%arg0: i32) -> (i32, i32) {
    %c0_i32 = arith.constant 0 : i32
    %c0_i32_0 = arith.constant 0 : i32
    %c0_i32_1 = arith.constant 0 : i32
    return %c0_i32, %c0_i32_0 : i32, i32
  }
  func.func @transform_14(%arg0: i32) -> (i32, i32) {
    %c0_i32 = arith.constant 0 : i32
    %c0_i32_0 = arith.constant 0 : i32
    %c0_i32_1 = arith.constant 0 : i32
    return %c0_i32, %c0_i32_0 : i32, i32
  }
  func.func @transform_15(%arg0: i32) -> i32 {
    %c0_i32 = arith.constant 0 : i32
    return %arg0 : i32
  }
}

</mosaic_0001>

<sc_bundles>
// kernel: kernel.5.cloned.1.call-start
scs
__scs_entry_jumppad:
0x0: {  	(pc) =	sbr.rel $0x88, $3  }
0x1: {  	(tag) =	ssettag $0x0;
	lr =	simm.s32 $0x1  }
0x2: {  	[smem:$0x3F97] =	sst lr;
	_ =	strace $0xD0000000  }
0x3: {  	_ = 	snop  }
0x4: {  	_ = 	snop  }
0x5: {  	_ = 	snop  }
0x6: {  	_ = 	snop  }
0x7: {  	_ = 	snop  }
__scs_overlays_trampoline_lowered:
0x8: {  	[smem:$0x3FA6] =	sst s0  }
0x9: {  	[smem:$0x3FA7] =	sst s1  }
0xa: {  	[smem:$0x3FA8] =	sst s2  }
0xb: {  	[smem:$0x3FA9] =	sst s3  }
0xc: {  	[smem:$0x3FAA] =	sst s4  }
0xd: {  	[smem:$0x3FAB] =	sst s5  }
0xe: {  	[smem:$0x3FAC] =	sst s6  }
0xf: {  	[smem:$0x3FAD] =	sst s7  }
0x10: {  	[smem:$0x3FAE] =	sst s8  }
0x11: {  	[smem:$0x3FAF] =	sst s9;
	s0 =	simm.s32 @!p0 $0x0  }
0x12: {  	s1 =	sld [smem:$0x3F95];
	s0 =	simm.s32 @p0 $0x1  }
0x13: {  	[smem:$0x3FB0] =	sst s0;
	s0 =	simm.s32 @!p1 $0x0  }
0x14: {  	s2 =	sld [smem:$0x3F94];
	s0 =	simm.s32 @p1 $0x1  }
0x15: {  	[smem:$0x3FB1] =	sst s0;
	s0 =	simm.s32 @!p2 $0x0  }
0x16: {  	s3 =	sld [smem:$0x3FDB];
	s0 =	simm.s32 @p2 $0x1  }
0x17: {  	s4 =	simm.s32 $0x1BF5;
	[smem:$0x3FB3] =	sst s0  }
0x18: {  	s0 =	sld [smem:$0x3F96];
	_ =	swait.ge [sflag:s4], $0x0  }
0x19: {  	s7 =	sld [smem:$0x3F97]  }
0x1a: {  	s8 =	sadd.s32 $0xFFFFE003, lr  }
0x1b: {  	s9 =	sadd.s32 $0xFFFFFEF7, lr;
	s5 =	simm.s32 $0xFFFFFFFF;
	p2 =	slt.u32 s8, $0xFFFFF086  }
0x1c: {  	p1 =	slt.u32 s9, $0xF7A;
	s5 =	simm.s32 @!p2 $0x0  }
0x1d: {  	s5 =	simm.s32 @p1 $0x1;
	p0 =	seq.s32 s7, s2  }
0x1e: {  	s7 =	smul.u32 @!p0 $0xF7A, s2;
	p2 =	seq.s32 @!p0 s5, $0x0  }
0x1f: {  	s9 =	smul.u32 $0xF7A, s1;
	s8 =	simm.s32 @!p0 $0x1BF5;
	p2 =	por !p2, p0  }
0x20: {  	[sflag:s8] =	ssyncset.s32 @!p0 $0xFFFFF086;
	s6 =	sadd.s32 @!p0 s3, s7;
	s7 =	simm.s32 @!p0 $0x108  }
0x21: {  	s3 =	sadd.s32 s3, s9;
	s6 =	sadd.s32 @!p0 $0x88, s6;
	s7 =	simm.s32 @p2 $0x1082  }
0x22: {  	[simem:s7], [sflag:s8] =	dma.local @!p0 [hbm:s6], $0xF7A  }
0x23: {  	s9 =	sor.u32 $0xD0000000, s2;
	s6 =	simm.s32 $0x108;
	_ =	swait.ge @!p0 [sflag:s8], $0x0  }
0x24: {  	s3 =	sadd.s32 $0x88, s3;
	s6 =	simm.s32 @!p1 $0x1082;
	[sflag:s4] =	ssyncset.s32 $0xFFFFF086  }
0x25: {  	[simem:s6], [sflag:s4] =	dma.local [hbm:s3], $0xF7A  }
0x26: {  	[smem:$0x3F97] =	sst s1;
	(tag) =	ssettag s2;
	_ =	strace s9  }
0x27: {  	s1 =	sld [smem:$0x3FA7]  }
0x28: {  	s2 =	sld [smem:$0x3FA8]  }
0x29: {  	s4 =	sld [smem:$0x3FAA]  }
0x2a: {  	p0 =	seq.s32 s5, $0x0;
	s5 =	sld [smem:$0x3FAB]  }
0x2b: {  	s6 =	sld [smem:$0x3FAC]  }
0x2c: {  	s7 =	sld [smem:$0x3FAD]  }
0x2d: {  	s3 =	simm.s32 $0x108;
	s8 =	sld [smem:$0x3FAE]  }
0x2e: {  	s3 =	simm.s32 @!p0 $0x1082;
	s9 =	sld [smem:$0x3FAF]  }
0x2f: {  	lr =	sadd.s32 s0, s3;
	s0 =	sld [smem:$0x3FA6]  }
0x30: {  	s3 =	sld [smem:$0x3FA9]  }
0x31: {  	[smem:$0x3FB2] =	sst s10  }
0x32: {  	s10 =	sld [smem:$0x3FB0];
	_ =	sdelay $0x3  }
0x33: {  	p0 =	seq.s32 s10, $0x1;
	s10 =	sld [smem:$0x3FB2];
	_ =	sdelay $0x3  }
0x34: {  	[smem:$0x3FB2] =	sst s10  }
0x35: {  	s10 =	sld [smem:$0x3FB1];
	_ =	sdelay $0x3  }
0x36: {  	p1 =	seq.s32 s10, $0x1;
	s10 =	sld [smem:$0x3FB2];
	_ =	sdelay $0x3  }
0x37: {  	[smem:$0x3FB2] =	sst s10  }
0x38: {  	s10 =	sld [smem:$0x3FB3]  }
0x39: {  	_ = 	snop;
	(pc) =	sbr.ind lr, $3  }
0x3a: {  	_ = 	snop  }
0x3b: {  	_ = 	snop  }
0x3c: {  	p2 =	seq.s32 s10, $0x1;
	s10 =	sld [smem:$0x3FB2]  }
0x3d: {  	_ =	shalt  }
0x3e: {  	_ =	shalt  }
0x3f: {  	_ =	shalt  }
0x40: {  	_ =	shalt  }
0x41: {  	_ =	shalt  }
0x42: {  	_ =	shalt  }
0x43: {  	_ =	shalt  }
0x44: {  	_ =	shalt  }
0x45: {  	_ =	shalt  }
0x46: {  	_ =	shalt  }
0x47: {  	_ =	shalt  }
0x48: {  	_ =	shalt  }
0x49: {  	_ =	shalt  }
0x4a: {  	_ =	shalt  }
0x4b: {  	_ =	shalt  }
0x4c: {  	_ =	shalt  }
0x4d: {  	_ =	shalt  }
0x4e: {  	_ =	shalt  }
0x4f: {  	_ =	shalt  }
0x50: {  	_ =	shalt  }
0x51: {  	_ =	shalt  }
0x52: {  	_ =	shalt  }
0x53: {  	_ =	shalt  }
0x54: {  	_ =	shalt  }
0x55: {  	_ =	shalt  }
0x56: {  	_ =	shalt  }
0x57: {  	_ =	shalt  }
0x58: {  	_ =	shalt  }
0x59: {  	_ =	shalt  }
0x5a: {  	_ =	shalt  }
0x5b: {  	_ =	shalt  }
0x5c: {  	_ =	shalt  }
0x5d: {  	_ =	shalt  }
0x5e: {  	_ =	shalt  }
0x5f: {  	_ =	shalt  }
0x60: {  	_ =	shalt  }
0x61: {  	_ =	shalt  }
0x62: {  	_ =	shalt  }
0x63: {  	_ =	shalt  }
0x64: {  	_ =	shalt  }
0x65: {  	_ =	shalt  }
0x66: {  	_ =	shalt  }
0x67: {  	_ =	shalt  }
0x68: {  	_ =	shalt  }
0x69: {  	_ =	shalt  }
0x6a: {  	_ =	shalt  }
0x6b: {  	_ =	shalt  }
0x6c: {  	_ =	shalt  }
0x6d: {  	_ =	shalt  }
0x6e: {  	_ =	shalt  }
0x6f: {  	_ =	shalt  }
0x70: {  	_ =	shalt  }
0x71: {  	_ =	shalt  }
0x72: {  	_ =	shalt  }
0x73: {  	_ =	shalt  }
0x74: {  	_ =	shalt  }
0x75: {  	_ =	shalt  }
0x76: {  	_ =	shalt  }
0x77: {  	_ =	shalt  }
0x78: {  	_ =	shalt  }
0x79: {  	_ =	shalt  }
0x7a: {  	_ =	shalt  }
0x7b: {  	_ =	shalt  }
0x7c: {  	_ =	shalt  }
0x7d: {  	_ =	shalt  }
0x7e: {  	_ =	shalt  }
0x7f: {  	_ =	shalt  }
0x80: {  	_ =	shalt  }
0x81: {  	_ =	shalt  }
0x82: {  	_ =	shalt  }
0x83: {  	_ =	shalt  }
0x84: {  	_ =	shalt  }
0x85: {  	_ =	shalt  }
0x86: {  	_ =	shalt  }
0x87: {  	_ =	shalt  }
.Lfunc_end0:
.L_simem_size_0:
called_computation_lowered:
.L_overlay_start_0:
0x88: {  	s2 =	sld [smem:$0x3FD9]  }
0x89: {  	s3 =	sld [smem:$0x3FFE];
	_ =	sdelay $0x1  }
0x8a: {  	s1 =	srdreg.scid  }
0x8b: {  	s0 =	sand.u32 $0x1, s1  }
0x8c: {  	s16 =	sshll.u32 s0, $0xA;
	s2 =	sadd.s32 s3, s2  }
0x8d: {  	s2 =	sadd.s32 s2, s16  }
0x8e: {  	[smem:$0x3FBE] =	sst s2  }
0x8f: {  	_ = 	snop  }
0x90: {  	(tm) =	ssettm $0x1  }
0x91: {  	s17 =	sld [smem:$0x3FFB];
	_ =	sdelay $0x3  }
0x92: {  	_ =	strace s17  }
0x93: {  	s2 =	sld [smem:$0x3FFC];
	_ =	sdelay $0x3  }
0x94: {  	_ =	strace s2  }
0x95: {  	s2 =	sld [smem:$0x3FFD];
	_ =	sdelay $0x3  }
0x96: {  	_ =	strace s2  }
0x97: {  	_ =	strace $0x8FFFFFFF  }
0x98: {  	s18 =	sld [smem:$0x3FDB];
	_ =	sdelay $0x1  }
0x99: {  	s19 =	simm.s32 $_scs_section_size  }
0x9a: {  	s4 =	simm.s32 $_size__tile_overlayer_lowered;
	s5 =	simm.s32 $_tile_overlayer_lowered  }
0x9b: {  	s22 =	simm.s32 $0x1BFF;
	s21 =	sshll.u32 s5, $0x1;
	s2 =	sadd.s32 s19, s18  }
0x9c: {  	s6 =	simm.s32 $0x0;
	s20 =	sshll.u32 s4, $0x1;
	s4 =	sadd.s32 s21, s2  }
0x9d: {  	[timem:s6], [sflag:s22] =	dma.local [hbm:s4], s20  }
0x9e: {  	_ =	swait.ge [sflag:s22], s20  }
0x9f: {  	s3 =	ssub.s32 $0x0, s20;
	[sflag:s22] =	ssyncset.done $0x0  }
0xa0: {  	[sflag:s22] =	ssyncadd.s32 s3;
	_ =	sdelay $0x1  }
0xa1: {  	s23 =	simm.s32 $0x1B8B  }
0xa2: {  	_ =	swait.ge [sflag:s23], $0x1  }
0xa3: {  	[sflag:s23] =	ssyncset.done $0x0  }
0xa4: {  	s25 =	simm.s32 $0x1B8E;
	s24 =	sld [smem:$0x3FFE];
	[sflag:s23] =	ssyncadd.s32 $0xFFFFFFFF  }
0xa5: {  	s26 =	simm.s32 $execute0_lowered;
	[smem:$0x3FD2] =	sst s25  }
0xa6: {  	s4 =	sshll.u32 s26, $0x1;
	_ =	strace $0x80000046;
	[dreg:$0x1] =	wrdreg $0xFFFFFFFF  }
0xa7: {  	s28 =	simm.s32 $_size_execute0_lowered;
	s2 =	sadd.s32 s2, s4;
	[dreg:$0x0] =	wrdreg $0x0  }
0xa8: {  	s4 =	sshll.u32 s28, $0x1;
	[dreg:$0x2] =	wrdreg s2  }
0xa9: {  	[dreg:$0x3] =	wrdreg s4  }
0xaa: {  	[dreg:$0x4] =	wrdreg $0xC0  }
0xab: {  	_ =	task [dreg:s6], $0x5FFFF  }
0xac: {  	[dreg:$0x1] =	wrdreg $0xFFFFFFFF  }
0xad: {  	[dreg:$0x0] =	wrdreg $0x60  }
0xae: {  	[dreg:$0x2] =	wrdreg s24  }
0xaf: {  	[dreg:$0x3] =	wrdreg $0x9  }
0xb0: {  	_ =	task.clear_ibuf [dreg:s6], $0x4FFFF;
	_ =	strace $0x90000046  }
0xb1: {  	s29 =	simm.s32 $0x9;
	_ =	strace $0x80000048  }
0xb2: {  	_ =	swait.ge [sflag:s29], $0x1  }
0xb3: {  	[sflag:s29] =	ssyncadd.s32 $0xFFFFFFFF  }
0xb4: {  	_ =	strace $0x90000048  }
0xb5: {  	_ =	sfence  }
0xb6: {  	s30 =	sld [smem:$0x0];
	_ =	sdelay $0x2  }
0xb7: {  	s31 =	sshll.u32 s1, $0xD;
	s1 =	sshrl.u32 s1, $0x2  }
0xb8: {  	s3 =	sand.u32 $0x4000, s31;
	s1 =	sadd.s32 s1, s30  }
0xb9: {  	s0 =	sor.u32 s3, s0;
	s1 =	sshll.u32 s1, $0x11  }
0xba: {  	s0 =	sor.u32 s1, s0  }
0xbb: {  	s0 =	sadd.s32 $0x8F2B, s0  }
0xbc: {  	[sflag:s0] =	ssyncadd.remote.s32 $0x1  }
0xbd: {  	_ =	sfence.sel $0xFFFF  }
0xbe: {  	[dreg:$0x0] =	wrdreg $0xFFFFFFFF;
	(pc) =	sbr.abs _section_cstart, $3  }
0xbf: {  	[dreg:$0x1] =	wrdreg $0xFFFFFFFF  }
0xc0: {  	_ =	task.clear_ibuf [dreg:s6], $0x2FFFF;
	_ =	strace $0x9FFFFFFF  }
0xc1: {  	(tm) =	ssettm $0x7FFFFFFF  }
tec
execute0_lowered:
.L_overlay_start_1:
0x0: {  	(tag) =	ssettag $0x1  }
0x1: {  	s1 =	srdreg.scid  }
0x2: {  	s0 =	stileid.u32;
	s1 =	sand.u32 $0x1, s1  }
0x3: {  	s28 =	rddreg [dreg:$0x0];
	s2 =	sshll.u32 s0, $0xA;
	s3 =	sshll.u32 s1, $0x9  }
0x4: {  	s24 =	sadd.s32 $0x7A6000, s28;
	[dreg:$0x6] =	wrdreg s1;
	s3 =	sor.u32 s3, s2  }
0x5: {  	s2 =	simm.s32 $0x0;
	s4 =	sshrl.u32 s3, $0x3;
	s30 =	sshll.u32 s3, $0x4  }
0x6: {  	[smem:$0x7FF] =	sst s2;
	s4 =	sadd.s32 s4, s28;
	s3 =	sadd.s32 s24, s30  }
0x7: {  	_ =	strace $0x80000047;
	s5 =	sadd.s32 $0x3000, s4;
	[dreg:$0x4] =	wrdreg s3  }
0x8: {  	s29 =	sor.u32 $0x800, s30;
	s4 =	sadd.s32 $0x4800, s4;
	[dreg:$0x2] =	wrdreg s5  }
0x9: {  	s26 =	sadd.s32 s24, s29;
	[dreg:$0x3] =	wrdreg s4  }
0xa: {  	[dreg:$0x5] =	wrdreg s26  }
0xb: {  	s3 =	simm.s32 $0x9;
	s25 =	rddreg [dreg:$0x2]  }
0xc: {  	[tilespmem:s2], [sflag:$0x9] =	stream.linear.gather [hbm4b:s25+s2], $0x200, $0x38;
	[tilespmem:$0x10400] =	vst v63  }
0xd: {  	_ =	swait.ge [sflag:s3], $0x200  }
0xe: {  	[sflag:s3] =	ssyncset.done $0x0  }
0xf: {  	s4 =	simm.s32 $0x200;
	s0 =	rddreg [dreg:$0x3];
	[sflag:s3] =	ssyncadd.s32 $0xFFFFFE00  }
0x10: {  	[tilespmem:s4], [sflag:$0x9] =	stream.linear.gather [hbm4b:s0+s2], $0x200, $0x38;
	[tilespmem:$0x10400] =	vst v63  }
0x11: {  	_ =	swait.ge [sflag:s3], $0x200  }
0x12: {  	s6 =	simm.s32 $0x80;
	[sflag:s3] =	ssyncset.done $0x0  }
0x13: {  	s7 =	simm.s32 $0x400;
	s5 =	sadd.s32 $0x5000, s28;
	[sflag:s3] =	ssyncadd.s32 $0xFFFFFE00  }
0x14: {  	[tilespmem:s7], [sflag:$0x1] =	stream.indirect.gather [hbm4b:s5+s6], $0x80, s2, s6, $0xb8;
	[tilespmem:$0x10400] =	vst v63  }
0x15: {  	s8 =	simm.s32 $0x4400  }
0x16: {  	[tilespmem:s8], [sflag:$0x2] =	stream.indirect.gather [hbm4b:s5+s6], $0x80, s6, s6, $0xb8;
	[tilespmem:$0x10400] =	vst v63  }
0x17: {  	s9 =	simm.s32 $0x100;
	s10 =	simm.s32 $0x8400  }
0x18: {  	[tilespmem:s10], [sflag:$0x3] =	stream.indirect.gather [hbm4b:s5+s6], $0x80, s9, s6, $0xb8;
	[tilespmem:$0x10400] =	vst v63  }
0x19: {  	s11 =	simm.s32 $0x180;
	s12 =	simm.s32 $0xC400;
	s13 =	simm.s32 $0x1  }
0x1a: {  	[tilespmem:s12], [sflag:$0x4] =	stream.indirect.gather [hbm4b:s5+s6], $0x80, s11, s6, $0xb8;
	[tilespmem:$0x10400] =	vst v63  }
0x1b: {  	_ =	swait.ge [sflag:s13], $0x4000  }
0x1c: {  	[sflag:s13] =	ssyncset.done $0x0  }
0x1d: {  	s14 =	simm.s32 $0x5;
	s15 =	rddreg [dreg:$0x4];
	[sflag:s13] =	ssyncadd.s32 $0xFFFFC000  }
0x1e: {  	[hbm4b:s15+s2] =	stream.linear.scatter [tilespmem:s7], [sflag:$0x5], $0x4000, $0x38;
	[tilespmem:$0x10400] =	vst v63  }
0x1f: {  	_ =	swait.ge [sflag:s14], $0x4000  }
0x20: {  	[sflag:s14] =	ssyncset.done $0x0  }
0x21: {  	s16 =	simm.s32 $0x2;
	s15 =	sadd.s32 $0x3D5800, s28;
	[sflag:s14] =	ssyncadd.s32 $0xFFFFC000  }
0x22: {  	[tilespmem:s7], [sflag:$0x1] =	stream.indirect.gather [hbm4b:s15+s6], $0x80, s4, s6, $0xb8;
	[tilespmem:$0x10400] =	vst v63  }
0x23: {  	_ =	swait.ge [sflag:s16], $0x4000  }
0x24: {  	[sflag:s16] =	ssyncset.done $0x0  }
0x25: {  	s17 =	simm.s32 $0x6;
	s18 =	rddreg [dreg:$0x5];
	[sflag:s16] =	ssyncadd.s32 $0xFFFFC000  }
0x26: {  	[hbm4b:s18+s2] =	stream.linear.scatter [tilespmem:s8], [sflag:$0x6], $0x4000, $0x38;
	[tilespmem:$0x10400] =	vst v63  }
0x27: {  	_ =	swait.ge [sflag:s17], $0x4000  }
0x28: {  	[sflag:s17] =	ssyncset.done $0x0  }
0x29: {  	s19 =	simm.s32 $0x3;
	s18 =	simm.s32 $0x280;
	[sflag:s17] =	ssyncadd.s32 $0xFFFFC000  }
0x2a: {  	[tilespmem:s8], [sflag:$0x2] =	stream.indirect.gather [hbm4b:s15+s6], $0x80, s18, s6, $0xb8;
	[tilespmem:$0x10400] =	vst v63  }
0x2b: {  	_ =	swait.ge [sflag:s19], $0x4000  }
0x2c: {  	s31 =	sor.u32 $0x1000, s30;
	[sflag:s19] =	ssyncset.done $0x0  }
0x2d: {  	s21 =	simm.s32 $0x7;
	s20 =	sadd.s32 s24, s31;
	[sflag:s19] =	ssyncadd.s32 $0xFFFFC000  }
0x2e: {  	[hbm4b:s20+s2] =	stream.linear.scatter [tilespmem:s10], [sflag:$0x7], $0x4000, $0x38;
	[tilespmem:$0x10400] =	vst v63  }
0x2f: {  	_ =	swait.ge [sflag:s21], $0x4000  }
0x30: {  	[sflag:s21] =	ssyncset.done $0x0  }
0x31: {  	s22 =	simm.s32 $0x300;
	s23 =	simm.s32 $0x4;
	[sflag:s21] =	ssyncadd.s32 $0xFFFFC000  }
0x32: {  	[tilespmem:s10], [sflag:$0x3] =	stream.indirect.gather [hbm4b:s15+s6], $0x80, s22, s6, $0xb8;
	[tilespmem:$0x10400] =	vst v63  }
0x33: {  	_ =	swait.ge [sflag:s23], $0x4000  }
0x34: {  	s1 =	sor.u32 $0x1800, s30;
	[sflag:s23] =	ssyncset.done $0x0  }
0x35: {  	s24 =	sadd.s32 s24, s1;
	s25 =	simm.s32 $0x8;
	[sflag:s23] =	ssyncadd.s32 $0xFFFFC000  }
0x36: {  	[hbm4b:s24+s2] =	stream.linear.scatter [tilespmem:s12], [sflag:$0x8], $0x4000, $0x38;
	[tilespmem:$0x10400] =	vst v63  }
0x37: {  	_ =	swait.ge [sflag:s25], $0x4000  }
0x38: {  	[sflag:s25] =	ssyncset.done $0x0  }
0x39: {  	s26 =	simm.s32 $0x380;
	[sflag:s25] =	ssyncadd.s32 $0xFFFFC000  }
0x3a: {  	[tilespmem:s12], [sflag:$0x4] =	stream.indirect.gather [hbm4b:s15+s6], $0x80, s26, s6, $0xb8;
	[tilespmem:$0x10400] =	vst v63  }
0x3b: {  	_ =	swait.ge [sflag:s13], $0x4000  }
0x3c: {  	s0 =	sadd.s32 $0x7E6000, s28;
	[sflag:s13] =	ssyncset.done $0x0  }
0x3d: {  	s28 =	sadd.s32 s0, s30;
	[sflag:s13] =	ssyncadd.s32 $0xFFFFC000  }
0x3e: {  	[hbm4b:s28+s2] =	stream.linear.scatter [tilespmem:s7], [sflag:$0x5], $0x4000, $0x38;
	[tilespmem:$0x10400] =	vst v63  }
0x3f: {  	_ =	swait.ge [sflag:s16], $0x4000  }
0x40: {  	[sflag:s16] =	ssyncset.done $0x0  }
0x41: {  	s29 =	sadd.s32 s0, s29;
	[sflag:s16] =	ssyncadd.s32 $0xFFFFC000  }
0x42: {  	[hbm4b:s29+s2] =	stream.linear.scatter [tilespmem:s8], [sflag:$0x6], $0x4000, $0x38;
	[tilespmem:$0x10400] =	vst v63  }
0x43: {  	_ =	swait.ge [sflag:s19], $0x4000  }
0x44: {  	[sflag:s19] =	ssyncset.done $0x0  }
0x45: {  	s30 =	sadd.s32 s0, s31;
	[sflag:s19] =	ssyncadd.s32 $0xFFFFC000  }
0x46: {  	[hbm4b:s30+s2] =	stream.linear.scatter [tilespmem:s10], [sflag:$0x7], $0x4000, $0x38;
	[tilespmem:$0x10400] =	vst v63  }
0x47: {  	_ =	swait.ge [sflag:s23], $0x4000  }
0x48: {  	[sflag:s23] =	ssyncset.done $0x0  }
0x49: {  	s31 =	sadd.s32 s0, s1;
	[sflag:s23] =	ssyncadd.s32 $0xFFFFC000  }
0x4a: {  	[hbm4b:s31+s2] =	stream.linear.scatter [tilespmem:s12], [sflag:$0x8], $0x4000, $0x38;
	[tilespmem:$0x10400] =	vst v63  }
0x4b: {  	_ =	swait.ge [sflag:s14], $0x4000  }
0x4c: {  	[sflag:s14] =	ssyncset.done $0x0  }
0x4d: {  	[sflag:s14] =	ssyncadd.s32 $0xFFFFC000  }
0x4e: {  	_ =	swait.ge [sflag:s17], $0x4000  }
0x4f: {  	s1 =	rddreg [dreg:$0x6]  }
0x50: {  	s0 =	ssub.s32 $0x2, s1  }
0x51: {  	s1 =	sshrl.u32 s0, $0x1  }
0x52: {  	s0 =	ssub.s32 s0, s1  }
0x53: {  	s0 =	smax.u32 s0, $0x1  }
0x54: {  	[sflag:s17] =	ssyncset.done $0x0;
	p0 =	sne.s32 s0, $0x1  }
.Ltmp0:
0x55: {  	[sflag:s17] =	ssyncadd.s32 $0xFFFFC000;
	(pc) =	sbr.rel @!p0 .LBB2_2-.Ltmp0, $4  }
0x56: {  	_ =	swait.ge [sflag:s21], $0x4000  }
0x57: {  	[sflag:s21] =	ssyncset.done $0x0  }
0x58: {  	[sflag:s21] =	ssyncadd.s32 $0xFFFFC000  }
0x59: {  	s1 =	sadd.s32 $0xFFFFFFFF, s0;
	_ =	swait.ge [sflag:s25], $0x4000  }
.LBB2_1:
0x5a: {  	[sflag:s25] =	ssyncset.done $0x0  }
0x5b: {  	s0 =	rddreg [dreg:$0x2];
	[sflag:s25] =	ssyncadd.s32 $0xFFFFC000  }
0x5c: {  	[tilespmem:s2], [sflag:$0x9] =	stream.linear.gather [hbm4b:s0+s2], $0x200, $0x38;
	[tilespmem:$0x10400] =	vst v63  }
0x5d: {  	_ =	swait.ge [sflag:s3], $0x200  }
0x5e: {  	[sflag:s3] =	ssyncset.done $0x0  }
0x5f: {  	s0 =	rddreg [dreg:$0x3];
	[sflag:s3] =	ssyncadd.s32 $0xFFFFFE00  }
0x60: {  	[tilespmem:s4], [sflag:$0x9] =	stream.linear.gather [hbm4b:s0+s2], $0x200, $0x38;
	[tilespmem:$0x10400] =	vst v63  }
0x61: {  	_ =	swait.ge [sflag:s3], $0x200  }
0x62: {  	[sflag:s3] =	ssyncset.done $0x0  }
0x63: {  	[sflag:s3] =	ssyncadd.s32 $0xFFFFFE00  }
0x64: {  	[tilespmem:s7], [sflag:$0x1] =	stream.indirect.gather [hbm4b:s5+s6], $0x80, s2, s6, $0xb8;
	[tilespmem:$0x10400] =	vst v63  }
0x65: {  	_ = 	snop  }
0x66: {  	[tilespmem:s8], [sflag:$0x2] =	stream.indirect.gather [hbm4b:s5+s6], $0x80, s6, s6, $0xb8;
	[tilespmem:$0x10400] =	vst v63  }
0x67: {  	_ = 	snop  }
0x68: {  	[tilespmem:s10], [sflag:$0x3] =	stream.indirect.gather [hbm4b:s5+s6], $0x80, s9, s6, $0xb8;
	[tilespmem:$0x10400] =	vst v63  }
0x69: {  	_ = 	snop  }
0x6a: {  	[tilespmem:s12], [sflag:$0x4] =	stream.indirect.gather [hbm4b:s5+s6], $0x80, s11, s6, $0xb8;
	[tilespmem:$0x10400] =	vst v63  }
0x6b: {  	_ =	swait.ge [sflag:s13], $0x4000  }
0x6c: {  	[sflag:s13] =	ssyncset.done $0x0  }
0x6d: {  	s0 =	rddreg [dreg:$0x4];
	[sflag:s13] =	ssyncadd.s32 $0xFFFFC000  }
0x6e: {  	[hbm4b:s0+s2] =	stream.linear.scatter [tilespmem:s7], [sflag:$0x5], $0x4000, $0x38;
	[tilespmem:$0x10400] =	vst v63  }
0x6f: {  	_ =	swait.ge [sflag:s14], $0x4000  }
0x70: {  	[sflag:s14] =	ssyncset.done $0x0  }
0x71: {  	[sflag:s14] =	ssyncadd.s32 $0xFFFFC000  }
0x72: {  	[tilespmem:s7], [sflag:$0x1] =	stream.indirect.gather [hbm4b:s15+s6], $0x80, s4, s6, $0xb8;
	[tilespmem:$0x10400] =	vst v63  }
0x73: {  	_ =	swait.ge [sflag:s16], $0x4000  }
0x74: {  	[sflag:s16] =	ssyncset.done $0x0  }
0x75: {  	s0 =	rddreg [dreg:$0x5];
	[sflag:s16] =	ssyncadd.s32 $0xFFFFC000  }
0x76: {  	[hbm4b:s0+s2] =	stream.linear.scatter [tilespmem:s8], [sflag:$0x6], $0x4000, $0x38;
	[tilespmem:$0x10400] =	vst v63  }
0x77: {  	_ =	swait.ge [sflag:s17], $0x4000  }
0x78: {  	[sflag:s17] =	ssyncset.done $0x0  }
0x79: {  	[sflag:s17] =	ssyncadd.s32 $0xFFFFC000  }
0x7a: {  	[tilespmem:s8], [sflag:$0x2] =	stream.indirect.gather [hbm4b:s15+s6], $0x80, s18, s6, $0xb8;
	[tilespmem:$0x10400] =	vst v63  }
0x7b: {  	_ =	swait.ge [sflag:s19], $0x4000  }
0x7c: {  	[sflag:s19] =	ssyncset.done $0x0  }
0x7d: {  	[sflag:s19] =	ssyncadd.s32 $0xFFFFC000  }
0x7e: {  	[hbm4b:s20+s2] =	stream.linear.scatter [tilespmem:s10], [sflag:$0x7], $0x4000, $0x38;
	[tilespmem:$0x10400] =	vst v63  }
0x7f: {  	_ =	swait.ge [sflag:s21], $0x4000  }
0x80: {  	[sflag:s21] =	ssyncset.done $0x0  }
0x81: {  	[sflag:s21] =	ssyncadd.s32 $0xFFFFC000  }
0x82: {  	[tilespmem:s10], [sflag:$0x3] =	stream.indirect.gather [hbm4b:s15+s6], $0x80, s22, s6, $0xb8;
	[tilespmem:$0x10400] =	vst v63  }
0x83: {  	_ =	swait.ge [sflag:s23], $0x4000  }
0x84: {  	[sflag:s23] =	ssyncset.done $0x0  }
0x85: {  	[sflag:s23] =	ssyncadd.s32 $0xFFFFC000  }
0x86: {  	[hbm4b:s24+s2] =	stream.linear.scatter [tilespmem:s12], [sflag:$0x8], $0x4000, $0x38;
	[tilespmem:$0x10400] =	vst v63  }
0x87: {  	_ =	swait.ge [sflag:s25], $0x4000  }
0x88: {  	[sflag:s25] =	ssyncset.done $0x0  }
0x89: {  	[sflag:s25] =	ssyncadd.s32 $0xFFFFC000  }
0x8a: {  	[tilespmem:s12], [sflag:$0x4] =	stream.indirect.gather [hbm4b:s15+s6], $0x80, s26, s6, $0xb8;
	[tilespmem:$0x10400] =	vst v63  }
0x8b: {  	_ =	swait.ge [sflag:s13], $0x4000  }
0x8c: {  	[sflag:s13] =	ssyncset.done $0x0  }
0x8d: {  	[sflag:s13] =	ssyncadd.s32 $0xFFFFC000  }
0x8e: {  	[hbm4b:s28+s2] =	stream.linear.scatter [tilespmem:s7], [sflag:$0x5], $0x4000, $0x38;
	[tilespmem:$0x10400] =	vst v63  }
0x8f: {  	_ =	swait.ge [sflag:s16], $0x4000  }
0x90: {  	[sflag:s16] =	ssyncset.done $0x0  }
0x91: {  	[sflag:s16] =	ssyncadd.s32 $0xFFFFC000  }
0x92: {  	[hbm4b:s29+s2] =	stream.linear.scatter [tilespmem:s8], [sflag:$0x6], $0x4000, $0x38;
	[tilespmem:$0x10400] =	vst v63  }
0x93: {  	_ =	swait.ge [sflag:s19], $0x4000  }
0x94: {  	[sflag:s19] =	ssyncset.done $0x0  }
0x95: {  	[sflag:s19] =	ssyncadd.s32 $0xFFFFC000  }
0x96: {  	[hbm4b:s30+s2] =	stream.linear.scatter [tilespmem:s10], [sflag:$0x7], $0x4000, $0x38;
	[tilespmem:$0x10400] =	vst v63  }
0x97: {  	_ =	swait.ge [sflag:s23], $0x4000  }
0x98: {  	[sflag:s23] =	ssyncset.done $0x0  }
0x99: {  	[sflag:s23] =	ssyncadd.s32 $0xFFFFC000  }
0x9a: {  	[hbm4b:s31+s2] =	stream.linear.scatter [tilespmem:s12], [sflag:$0x8], $0x4000, $0x38;
	[tilespmem:$0x10400] =	vst v63  }
0x9b: {  	_ =	swait.ge [sflag:s14], $0x4000  }
0x9c: {  	[sflag:s14] =	ssyncset.done $0x0  }
0x9d: {  	[sflag:s14] =	ssyncadd.s32 $0xFFFFC000  }
0x9e: {  	_ =	swait.ge [sflag:s17], $0x4000  }
0x9f: {  	p0 =	sne.s32 s1, $0x1;
	[sflag:s17] =	ssyncset.done $0x0  }
.Ltmp1:
0xa0: {  	[sflag:s17] =	ssyncadd.s32 $0xFFFFC000;
	(pc) =	sbr.rel @p0 .LBB2_1-.Ltmp1, $4  }
0xa1: {  	_ =	swait.ge [sflag:s21], $0x4000  }
0xa2: {  	[sflag:s21] =	ssyncset.done $0x0  }
0xa3: {  	[sflag:s21] =	ssyncadd.s32 $0xFFFFC000  }
0xa4: {  	s1 =	sadd.s32 $0xFFFFFFFF, s1;
	_ =	swait.ge [sflag:s25], $0x4000  }
.LBB2_2:
0xa5: {  	[sflag:s25] =	ssyncset.done $0x0  }
0xa6: {  	[sflag:s25] =	ssyncadd.s32 $0xFFFFC000  }
0xa7: {  	_ =	sfence.sel $0x180000  }
0xa8: {  	[bflag:$0x0] =	sbarrier.arrive $0xFFFF  }
0xa9: {  	_ =	strace $0x90000047  }
0xaa: {  	s0 =	stileid.u32;
	[bflag:$0x2] =	sbarrier.arrive $0xFFFF  }
0xab: {  	p0 =	sne.s32 s0, $0x0;
	s0 =	rddreg [dreg:$0x1]  }
0xac: {  	s0 =	sadd.s32 @!p0 $0x100000, s0  }
0xad: {  	[sflag:s0] =	ssyncadd.tile.s32 @!p0 $0x1;
	_ =	shalt  }
.Lfunc_end2:
_tile_overlayer_lowered:
.L_overlay_start_2:
0xae: {  	(tag) =	ssettag $0x2  }
0xaf: {  	s0 =	rddreg [dreg:$0x0];
	s2 =	stileid.u32  }
0xb0: {  	s1 =	rddreg [dreg:$0x1];
	p0 =	sne.s32 s2, $0x0  }
0xb1: {  	s3 =	rddreg [dreg:$0x2];
	[bflag:$0x3] =	sbarrier.arrive $0xFFFF;
	s2 =	simm.s32 @!p0 $0x1C09  }
0xb2: {  	[timem:s3], [sflag:s2] =	dma.local @!p0 [hbm:s0], s1  }
0xb3: {  	s0 =	simm.s32 @!p0 $0x9  }
0xb4: {  	_ =	swait.ge @!p0 [sflag:s0], s1  }
0xb5: {  	s1 =	ssub.s32 @!p0 $0x0, s1;
	[sflag:s0] =	ssyncset.done @!p0 $0x0  }
0xb6: {  	[sflag:s0] =	ssyncadd.s32 @!p0 s1  }
0xb7: {  	[bflag:$0x3] =	sbarrier.arrive $0xFFFF  }
0xb8: {  	_ =	shalt  }

</sc_bundles>
